<compile_context>
chip_gen: v7x
topology: tpu7x:2x2x1
jax: 0.10.2.dev20260603
libtpu: 0.0.44.dev20260713+nightly
codegen_flags: <defaults>
</compile_context>

<pallas_src>
import functools
import math

import jax
import jax.numpy as jnp
from jax import lax
from jax.experimental import pallas as pl
from jax.experimental.pallas import tpu as pltpu
from jax.experimental.pallas import tpu_sc as plsc

KNN_K = 8
SIG_P2 = 0.03 ** 2
ANG_C = 1.0 - math.cos(math.radians(15))
MB = 512


def _topk_body(pred_ref, gts_ref, dist_ref, idx_ref):
    p = pred_ref[0]
    g = gts_ref[0]
    dx = p[:, 0:1] - g[0:1, :]
    dy = p[:, 1:2] - g[1:2, :]
    dz = p[:, 2:3] - g[2:3, :]
    d = dx * dx + dy * dy + dz * dz
    n = d.shape[1]
    iota_f = lax.broadcasted_iota(jnp.int32, d.shape, 1).astype(jnp.float32)
    big = jnp.float32(jnp.inf)
    bign = jnp.float32(n)
    for j in range(KNN_K):
        m = jnp.min(d, axis=1, keepdims=True)
        eq = d == m
        idxc = jnp.where(eq, iota_f, bign)
        am = jnp.min(idxc, axis=1, keepdims=True)
        dist_ref[0, :, j:j + 1] = m
        idx_ref[0, :, j:j + 1] = am.astype(jnp.int32)
        d = jnp.where(eq, big, d)


def _topk(preds, gts_t, interpret=False):
    B, M, _ = preds.shape
    N = gts_t.shape[2]
    grid = (B, M // MB)
    return pl.pallas_call(
        _topk_body,
        grid=grid,
        in_specs=[
            pl.BlockSpec((1, MB, 3), lambda b, i: (b, i, 0)),
            pl.BlockSpec((1, 3, N), lambda b, i: (b, 0, 0)),
        ],
        out_specs=[
            pl.BlockSpec((1, MB, KNN_K), lambda b, i: (b, i, 0)),
            pl.BlockSpec((1, MB, KNN_K), lambda b, i: (b, i, 0)),
        ],
        out_shape=[
            jax.ShapeDtypeStruct((B, M, KNN_K), jnp.float32),
            jax.ShapeDtypeStruct((B, M, KNN_K), jnp.int32),
        ],
        interpret=interpret,
    )(preds, gts_t)


def _make_sc_stage2(B, M, N):
    NC, NS = 2, 16
    NW = NC * NS
    QPW = (B * M) // NW
    WPB = M // QPW
    NG = QPW // 16
    mesh = plsc.VectorSubcoreMesh(core_axis_name="c", subcore_axis_name="s")

    @functools.partial(
        pl.kernel,
        mesh=mesh,
        out_type=jax.ShapeDtypeStruct((NW * 16,), jnp.float32),
        scratch_types=[
            pltpu.VMEM((3 * N,), jnp.float32),
            pltpu.VMEM((3 * N,), jnp.float32),
            pltpu.VMEM((3 * QPW,), jnp.float32),
            pltpu.VMEM((KNN_K * QPW,), jnp.float32),
            pltpu.VMEM((KNN_K * QPW,), jnp.int32),
            pltpu.VMEM((16,), jnp.float32),
        ],
        compiler_params=pltpu.CompilerParams(needs_layout_passes=False),
    )
    def sc2(dist_hbm, idx_hbm, preds_hbm, gts_hbm, nrm_hbm, out_hbm,
            gt_v, nr_v, pf_v, df_v, if_v, av):
        wid = lax.axis_index("s") * NC + lax.axis_index("c")
        b = wid // WPB
        qoff = (wid % WPB) * QPW
        pltpu.sync_copy(gts_hbm.at[pl.ds(b * 3 * N, 3 * N)], gt_v)
        pltpu.sync_copy(nrm_hbm.at[pl.ds(b * 3 * N, 3 * N)], nr_v)
        pltpu.sync_copy(preds_hbm.at[pl.ds((b * M + qoff) * 3, 3 * QPW)], pf_v)
        pltpu.sync_copy(
            dist_hbm.at[pl.ds((b * M + qoff) * KNN_K, KNN_K * QPW)], df_v)
        pltpu.sync_copy(
            idx_hbm.at[pl.ds((b * M + qoff) * KNN_K, KNN_K * QPW)], if_v)
        lanes = jnp.arange(16, dtype=jnp.int32)

        def body(g, acc):
            ivp = g * 48 + lanes * 3
            px = plsc.load_gather(pf_v, [ivp])
            py = plsc.load_gather(pf_v, [ivp + 1])
            pz = plsc.load_gather(pf_v, [ivp + 2])
            ivd = g * (16 * KNN_K) + lanes * KNN_K
            n0x = n0y = n0z = None
            num = jnp.zeros((16,), jnp.float32)
            den = jnp.zeros((16,), jnp.float32)
            for j in range(KNN_K):
                dj = plsc.load_gather(df_v, [ivd + j])
                ij = plsc.load_gather(if_v, [ivd + j])
                i3 = ij * 3
                gxj = plsc.load_gather(gt_v, [i3])
                gyj = plsc.load_gather(gt_v, [i3 + 1])
                gzj = plsc.load_gather(gt_v, [i3 + 2])
                nxj = plsc.load_gather(nr_v, [i3])
                nyj = plsc.load_gather(nr_v, [i3 + 1])
                nzj = plsc.load_gather(nr_v, [i3 + 2])
                if j == 0:
                    n0x, n0y, n0z = nxj, nyj, nzj
                cos = nxj * n0x + nyj * n0y + nzj * n0z
                aw = jnp.exp(-(1.0 - cos) / ANG_C)
                dw = jnp.exp(-dj / SIG_P2)
                w = dw * aw
                ip = jnp.abs((px - gxj) * nxj + (py - gyj) * nyj
                             + (pz - gzj) * nzj)
                num = num + ip * w
                den = den + w
            return acc + num / den

        acc = lax.fori_loop(0, NG, body, jnp.zeros((16,), jnp.float32))
        av[...] = acc
        pltpu.sync_copy(av, out_hbm.at[pl.ds(wid * 16, 16)])

    return sc2


def kernel(preds, gts, normals):
    B, M, _ = preds.shape
    N = gts.shape[1]
    gts_t = jnp.transpose(gts, (0, 2, 1))
    knn_dist, knn_idx = _topk(preds, gts_t)
    sc2 = _make_sc_stage2(B, M, N)
    partials = sc2(knn_dist.reshape(-1), knn_idx.reshape(-1),
                   preds.reshape(-1), gts.reshape(-1), normals.reshape(-1))
    return jnp.sum(partials)

# --- scband reference (transcript-rebuilt; emitter-appended) ---
"""Pipeline reference for scband-projection-loss-1580547967532 (READ-ONLY COPY).

The authoritative reference and input builder live on the scoring server;
editing this copy changes nothing except your own understanding.
"""

import math
import jax, jax.numpy as jnp
import numpy as np

KNN = 8
SIGMA_P = 0.03
SIGMA_N = math.radians(15)


def setup_inputs(seed: int = 0) -> dict:
    key = jax.random.key(seed)
    k1, k2, k3 = jax.random.split(key, 3)
    B, M, N = 8, 2048, 2048
    # scale points so nearest-neighbor distances are comparable to sigma_p
    preds = jax.random.normal(k1, (B, M, 3), dtype=jnp.float32) * 0.05
    gts = jax.random.normal(k2, (B, N, 3), dtype=jnp.float32) * 0.05
    normals = jax.random.normal(k3, (B, N, 3), dtype=jnp.float32)
    normals = normals / (jnp.linalg.norm(normals, axis=-1, keepdims=True) + 1e-8)
    return {"preds": preds, "gts": gts, "normals": normals}


def reference(preds, gts, normals):
    B, M, _ = preds.shape
    # get_knn_idx_dist: full pairwise squared L2 distances (B, M, N)
    diff = preds[:, :, None, :] - gts[:, None, :, :]
    dist = jnp.sum(diff ** 2, axis=-1)
    knn_idx = jnp.argsort(dist, axis=2)[:, :, 0:KNN]  # (B, M, k)
    knn_dist = jnp.take_along_axis(dist, knn_idx, axis=2)  # (B, M, k)
    # group: gather neighbor points / normals -> (B, M, k, 3)
    b = jnp.arange(B)[:, None, None]
    nb_points = gts[b, knn_idx]
    nb_normals = normals[b, knn_idx]
    # distance weight
    distance_w = jnp.exp(-knn_dist / (SIGMA_P ** 2))
    # angle weight
    estm_normal = nb_normals[:, :, 0:1, :]
    inner = jnp.sum(nb_normals * estm_normal, axis=-1)
    angle_w = jnp.exp(-(1.0 - inner) / (1.0 - math.cos(SIGMA_N)))
    weights = distance_w * angle_w
    inner_prod = jnp.sum((preds[:, :, None, :] - nb_points) * nb_normals, axis=-1)
    inner_prod = jnp.abs(inner_prod)
    point_displacement = jnp.sum(inner_prod * weights, axis=-1) / jnp.sum(weights, axis=-1)
    return jnp.sum(point_displacement)

if __name__ == "__main__":
    import jax
    _d = setup_inputs()
    print(jax.jit(kernel)(*tuple(_d.values())))

</pallas_src>

<mosaic_0001>
#map = affine_map<(d0, d1) -> (0)>
module attributes {stable_mosaic.version = 14 : i64} {
  func.func @sc2(%arg0: i32, %arg1: i32, %arg2: memref<131072xf32, #tpu.memory_space<hbm>>, %arg3: memref<131072xi32, #tpu.memory_space<hbm>>, %arg4: memref<49152xf32, #tpu.memory_space<hbm>>, %arg5: memref<49152xf32, #tpu.memory_space<hbm>>, %arg6: memref<49152xf32, #tpu.memory_space<hbm>>, %arg7: memref<512xf32, #tpu.memory_space<hbm>>, %arg8: memref<6144xf32, #tpu.memory_space<vmem>>, %arg9: memref<6144xf32, #tpu.memory_space<vmem>>, %arg10: memref<1536xf32, #tpu.memory_space<vmem>>, %arg11: memref<4096xf32, #tpu.memory_space<vmem>>, %arg12: memref<4096xi32, #tpu.memory_space<vmem>>, %arg13: memref<16xf32, #tpu.memory_space<vmem>>) attributes {dimension_semantics = [#tpu.dimension_semantics<core_parallel>, #tpu.dimension_semantics<subcore_parallel>], iteration_bounds = array<i64: 2, 16>, scalar_prefetch = 0 : i64, scratch_operands = 6 : i64, tpu.core_type = #tpu.core_type<sc_vector_subcore>, window_params = [{transform_indices = #map}, {transform_indices = #map}, {transform_indices = #map}, {transform_indices = #map}, {transform_indices = #map}, {transform_indices = #map}]} {
    %mul3A = arith.constant 2 : i32
    %mul3A_0 = arith.muli %arg1, %mul3A : i32
    %add3A = arith.addi %mul3A_0, %arg0 : i32
    %jit3A = arith.constant 4 : i32
    %div3A = arith.divsi %add3A, %jit3A : i32
    %sign3A = arith.constant 0 : i32
    %sign3A_1 = arith.cmpi sgt, %add3A, %sign3A : i32
    %sign3A_2 = arith.extui %sign3A_1 : i1 to i32
    %sign3A_3 = arith.constant 0 : i32
    %sign3A_4 = arith.cmpi slt, %add3A, %sign3A_3 : i32
    %sign3A_5 = arith.extui %sign3A_4 : i1 to i32
    %sign3A_6 = arith.subi %sign3A_2, %sign3A_5 : i32
    %sign3A_7 = arith.constant 0 : i32
    %sign3A_8 = arith.cmpi sgt, %jit3A, %sign3A_7 : i32
    %sign3A_9 = arith.extui %sign3A_8 : i1 to i32
    %sign3A_10 = arith.constant 0 : i32
    %sign3A_11 = arith.cmpi slt, %jit3A, %sign3A_10 : i32
    %sign3A_12 = arith.extui %sign3A_11 : i1 to i32
    %sign3A_13 = arith.subi %sign3A_9, %sign3A_12 : i32
    %ne3A = arith.cmpi ne, %sign3A_6, %sign3A_13 : i32
    %rem3A = arith.remsi %add3A, %jit3A : i32
    %ne3A_14 = arith.constant 0 : i32
    %ne3A_15 = arith.cmpi ne, %rem3A, %ne3A_14 : i32
    %and3A = arith.andi %ne3A, %ne3A_15 : i1
    %sub3A = arith.constant 1 : i32
    %sub3A_16 = arith.subi %div3A, %sub3A : i32
    %select_n3A = arith.select %and3A, %sub3A_16, %div3A : i32
    %jit3A_17 = arith.constant 4 : i32
    %eq3A = arith.constant 0 : i32
    %eq3A_18 = arith.cmpi eq, %jit3A_17, %eq3A : i32
    %jit3A_19 = arith.constant 1 : i32
    %select_n3A_20 = arith.select %eq3A_18, %jit3A_19, %jit3A_17 : i32
    %rem3A_21 = arith.remsi %add3A, %select_n3A_20 : i32
    %ne3A_22 = arith.constant 0 : i32
    %ne3A_23 = arith.cmpi ne, %rem3A_21, %ne3A_22 : i32
    %lt3A = arith.constant 0 : i32
    %lt3A_24 = arith.cmpi slt, %rem3A_21, %lt3A : i32
    %lt3A_25 = arith.constant 0 : i32
    %lt3A_26 = arith.cmpi slt, %select_n3A_20, %lt3A_25 : i32
    %ne3A_27 = arith.xori %lt3A_24, %lt3A_26 : i1
    %and3A_28 = arith.andi %ne3A_27, %ne3A_23 : i1
    %add3A_29 = arith.addi %rem3A_21, %select_n3A_20 : i32
    %select_n3A_30 = arith.select %and3A_28, %add3A_29, %rem3A_21 : i32
    %mul3A_31 = arith.constant 512 : i32
    %mul3A_32 = arith.muli %select_n3A_30, %mul3A_31 : i32
    %mul3A_33 = arith.constant 3 : i32
    %mul3A_34 = arith.muli %select_n3A, %mul3A_33 : i32
    %mul3A_35 = arith.constant 2048 : i32
    %mul3A_36 = arith.muli %mul3A_34, %mul3A_35 : i32
    "tpu.region"() ({
      %run_scoped3A = tpu.sem_alloc : memref<!tpu.dma_semaphore, #tpu.memory_space<semaphore_mem>>
      %dma_start3A = tpu.memref_slice %arg5[%mul3A_36] : memref<49152xf32, #tpu.memory_space<hbm>> -> memref<6144xf32, #tpu.memory_space<hbm>>
      %dma_start3A_65 = tpu.memref_slice %arg5[%mul3A_36] : memref<49152xf32, #tpu.memory_space<hbm>> -> memref<6144xf32, #tpu.memory_space<hbm>>
      tpu.enqueue_dma source(%dma_start3A_65 : memref<6144xf32, #tpu.memory_space<hbm>>) target(%arg8 : memref<6144xf32, #tpu.memory_space<vmem>>) target_semaphore(%run_scoped3A : memref<!tpu.dma_semaphore, #tpu.memory_space<semaphore_mem>>)
      %dma_wait3A = tpu.memref_slice %arg5[%mul3A_36] : memref<49152xf32, #tpu.memory_space<hbm>> -> memref<6144xf32, #tpu.memory_space<hbm>>
      %dma_wait3A_66 = tpu.memref_slice %arg5[%mul3A_36] : memref<49152xf32, #tpu.memory_space<hbm>> -> memref<6144xf32, #tpu.memory_space<hbm>>
      tpu.wait_dma2 semaphore(%run_scoped3A : memref<!tpu.dma_semaphore, #tpu.memory_space<semaphore_mem>>) src(%dma_wait3A_66 : memref<6144xf32, #tpu.memory_space<hbm>>) dst(%arg8 : memref<6144xf32, #tpu.memory_space<vmem>>)
      tpu.yield
    }) : () -> ()
    %mul3A_37 = arith.constant 3 : i32
    %mul3A_38 = arith.muli %select_n3A, %mul3A_37 : i32
    %mul3A_39 = arith.constant 2048 : i32
    %mul3A_40 = arith.muli %mul3A_38, %mul3A_39 : i32
    "tpu.region"() ({
      %run_scoped3A = tpu.sem_alloc : memref<!tpu.dma_semaphore, #tpu.memory_space<semaphore_mem>>
      %dma_start3A = tpu.memref_slice %arg6[%mul3A_40] : memref<49152xf32, #tpu.memory_space<hbm>> -> memref<6144xf32, #tpu.memory_space<hbm>>
      %dma_start3A_65 = tpu.memref_slice %arg6[%mul3A_40] : memref<49152xf32, #tpu.memory_space<hbm>> -> memref<6144xf32, #tpu.memory_space<hbm>>
      tpu.enqueue_dma source(%dma_start3A_65 : memref<6144xf32, #tpu.memory_space<hbm>>) target(%arg9 : memref<6144xf32, #tpu.memory_space<vmem>>) target_semaphore(%run_scoped3A : memref<!tpu.dma_semaphore, #tpu.memory_space<semaphore_mem>>)
      %dma_wait3A = tpu.memref_slice %arg6[%mul3A_40] : memref<49152xf32, #tpu.memory_space<hbm>> -> memref<6144xf32, #tpu.memory_space<hbm>>
      %dma_wait3A_66 = tpu.memref_slice %arg6[%mul3A_40] : memref<49152xf32, #tpu.memory_space<hbm>> -> memref<6144xf32, #tpu.memory_space<hbm>>
      tpu.wait_dma2 semaphore(%run_scoped3A : memref<!tpu.dma_semaphore, #tpu.memory_space<semaphore_mem>>) src(%dma_wait3A_66 : memref<6144xf32, #tpu.memory_space<hbm>>) dst(%arg9 : memref<6144xf32, #tpu.memory_space<vmem>>)
      tpu.yield
    }) : () -> ()
    %mul3A_41 = arith.constant 2048 : i32
    %mul3A_42 = arith.muli %select_n3A, %mul3A_41 : i32
    %add3A_43 = arith.addi %mul3A_42, %mul3A_32 : i32
    %mul3A_44 = arith.constant 3 : i32
    %mul3A_45 = arith.muli %add3A_43, %mul3A_44 : i32
    "tpu.region"() ({
      %run_scoped3A = tpu.sem_alloc : memref<!tpu.dma_semaphore, #tpu.memory_space<semaphore_mem>>
      %dma_start3A = tpu.memref_slice %arg4[%mul3A_45] : memref<49152xf32, #tpu.memory_space<hbm>> -> memref<1536xf32, #tpu.memory_space<hbm>>
      %dma_start3A_65 = tpu.memref_slice %arg4[%mul3A_45] : memref<49152xf32, #tpu.memory_space<hbm>> -> memref<1536xf32, #tpu.memory_space<hbm>>
      tpu.enqueue_dma source(%dma_start3A_65 : memref<1536xf32, #tpu.memory_space<hbm>>) target(%arg10 : memref<1536xf32, #tpu.memory_space<vmem>>) target_semaphore(%run_scoped3A : memref<!tpu.dma_semaphore, #tpu.memory_space<semaphore_mem>>)
      %dma_wait3A = tpu.memref_slice %arg4[%mul3A_45] : memref<49152xf32, #tpu.memory_space<hbm>> -> memref<1536xf32, #tpu.memory_space<hbm>>
      %dma_wait3A_66 = tpu.memref_slice %arg4[%mul3A_45] : memref<49152xf32, #tpu.memory_space<hbm>> -> memref<1536xf32, #tpu.memory_space<hbm>>
      tpu.wait_dma2 semaphore(%run_scoped3A : memref<!tpu.dma_semaphore, #tpu.memory_space<semaphore_mem>>) src(%dma_wait3A_66 : memref<1536xf32, #tpu.memory_space<hbm>>) dst(%arg10 : memref<1536xf32, #tpu.memory_space<vmem>>)
      tpu.yield
    }) : () -> ()
    %mul3A_46 = arith.constant 2048 : i32
    %mul3A_47 = arith.muli %select_n3A, %mul3A_46 : i32
    %add3A_48 = arith.addi %mul3A_47, %mul3A_32 : i32
    %mul3A_49 = arith.constant 8 : i32
    %mul3A_50 = arith.muli %add3A_48, %mul3A_49 : i32
    "tpu.region"() ({
      %run_scoped3A = tpu.sem_alloc : memref<!tpu.dma_semaphore, #tpu.memory_space<semaphore_mem>>
      %dma_start3A = tpu.memref_slice %arg2[%mul3A_50] : memref<131072xf32, #tpu.memory_space<hbm>> -> memref<4096xf32, #tpu.memory_space<hbm>>
      %dma_start3A_65 = tpu.memref_slice %arg2[%mul3A_50] : memref<131072xf32, #tpu.memory_space<hbm>> -> memref<4096xf32, #tpu.memory_space<hbm>>
      tpu.enqueue_dma source(%dma_start3A_65 : memref<4096xf32, #tpu.memory_space<hbm>>) target(%arg11 : memref<4096xf32, #tpu.memory_space<vmem>>) target_semaphore(%run_scoped3A : memref<!tpu.dma_semaphore, #tpu.memory_space<semaphore_mem>>)
      %dma_wait3A = tpu.memref_slice %arg2[%mul3A_50] : memref<131072xf32, #tpu.memory_space<hbm>> -> memref<4096xf32, #tpu.memory_space<hbm>>
      %dma_wait3A_66 = tpu.memref_slice %arg2[%mul3A_50] : memref<131072xf32, #tpu.memory_space<hbm>> -> memref<4096xf32, #tpu.memory_space<hbm>>
      tpu.wait_dma2 semaphore(%run_scoped3A : memref<!tpu.dma_semaphore, #tpu.memory_space<semaphore_mem>>) src(%dma_wait3A_66 : memref<4096xf32, #tpu.memory_space<hbm>>) dst(%arg11 : memref<4096xf32, #tpu.memory_space<vmem>>)
      tpu.yield
    }) : () -> ()
    %mul3A_51 = arith.constant 2048 : i32
    %mul3A_52 = arith.muli %select_n3A, %mul3A_51 : i32
    %add3A_53 = arith.addi %mul3A_52, %mul3A_32 : i32
    %mul3A_54 = arith.constant 8 : i32
    %mul3A_55 = arith.muli %add3A_53, %mul3A_54 : i32
    "tpu.region"() ({
      %run_scoped3A = tpu.sem_alloc : memref<!tpu.dma_semaphore, #tpu.memory_space<semaphore_mem>>
      %dma_start3A = tpu.memref_slice %arg3[%mul3A_55] : memref<131072xi32, #tpu.memory_space<hbm>> -> memref<4096xi32, #tpu.memory_space<hbm>>
      %dma_start3A_65 = tpu.memref_slice %arg3[%mul3A_55] : memref<131072xi32, #tpu.memory_space<hbm>> -> memref<4096xi32, #tpu.memory_space<hbm>>
      tpu.enqueue_dma source(%dma_start3A_65 : memref<4096xi32, #tpu.memory_space<hbm>>) target(%arg12 : memref<4096xi32, #tpu.memory_space<vmem>>) target_semaphore(%run_scoped3A : memref<!tpu.dma_semaphore, #tpu.memory_space<semaphore_mem>>)
      %dma_wait3A = tpu.memref_slice %arg3[%mul3A_55] : memref<131072xi32, #tpu.memory_space<hbm>> -> memref<4096xi32, #tpu.memory_space<hbm>>
      %dma_wait3A_66 = tpu.memref_slice %arg3[%mul3A_55] : memref<131072xi32, #tpu.memory_space<hbm>> -> memref<4096xi32, #tpu.memory_space<hbm>>
      tpu.wait_dma2 semaphore(%run_scoped3A : memref<!tpu.dma_semaphore, #tpu.memory_space<semaphore_mem>>) src(%dma_wait3A_66 : memref<4096xi32, #tpu.memory_space<hbm>>) dst(%arg12 : memref<4096xi32, #tpu.memory_space<vmem>>)
      tpu.yield
    }) : () -> ()
    %iota3A = tpu.iota {dimensions = array<i32: 0>} : vector<16xi32>
    %broadcast_in_dim3A = arith.constant 0.000000e+00 : f32
    %broadcast_in_dim3A_56 = vector.broadcast %broadcast_in_dim3A : f32 to vector<16xf32>
    %scan3A = arith.constant 0 : i32
    %scan3A_57 = arith.constant 32 : i32
    %scan3A_58 = arith.addi %scan3A, %scan3A_57 : i32
    %scan3A_59 = arith.constant 1 : i32
    %scan3A_60 = scf.for %scan3A_65 = %scan3A to %scan3A_58 step %scan3A_59 iter_args(%scan3A_66 = %broadcast_in_dim3A_56) -> (vector<16xf32>)  : i32 {
      %mul3A_67 = arith.constant 48 : i32
      %mul3A_68 = arith.muli %scan3A_65, %mul3A_67 : i32
      %mul3A_69 = arith.constant 3 : i32
      %mul3A_70 = vector.broadcast %mul3A_69 : i32 to vector<16xi32>
      %mul3A_71 = arith.muli %iota3A, %mul3A_70 : vector<16xi32>
      %add3A_72 = vector.broadcast %mul3A_68 : i32 to vector<16xi32>
      %add3A_73 = arith.addi %add3A_72, %mul3A_71 : vector<16xi32>
      %gather3A = tpu.vector_load_idx %arg10[%add3A_73] : memref<1536xf32, #tpu.memory_space<vmem>>[vector<16xi32>], vector<16xf32>,
      %add3A_74 = arith.constant 1 : i32
      %add3A_75 = vector.broadcast %add3A_74 : i32 to vector<16xi32>
      %add3A_76 = arith.addi %add3A_73, %add3A_75 : vector<16xi32>
      %gather3A_77 = tpu.vector_load_idx %arg10[%add3A_76] : memref<1536xf32, #tpu.memory_space<vmem>>[vector<16xi32>], vector<16xf32>,
      %add3A_78 = arith.constant 2 : i32
      %add3A_79 = vector.broadcast %add3A_78 : i32 to vector<16xi32>
      %add3A_80 = arith.addi %add3A_73, %add3A_79 : vector<16xi32>
      %gather3A_81 = tpu.vector_load_idx %arg10[%add3A_80] : memref<1536xf32, #tpu.memory_space<vmem>>[vector<16xi32>], vector<16xf32>,
      %mul3A_82 = arith.constant 128 : i32
      %mul3A_83 = arith.muli %scan3A_65, %mul3A_82 : i32
      %mul3A_84 = arith.constant 8 : i32
      %mul3A_85 = vector.broadcast %mul3A_84 : i32 to vector<16xi32>
      %mul3A_86 = arith.muli %iota3A, %mul3A_85 : vector<16xi32>
      %add3A_87 = vector.broadcast %mul3A_83 : i32 to vector<16xi32>
      %add3A_88 = arith.addi %add3A_87, %mul3A_86 : vector<16xi32>
      %broadcast_in_dim3A_89 = arith.constant 0.000000e+00 : f32
      %broadcast_in_dim3A_90 = vector.broadcast %broadcast_in_dim3A_89 : f32 to vector<16xf32>
      %broadcast_in_dim3A_91 = arith.constant 0.000000e+00 : f32
      %broadcast_in_dim3A_92 = vector.broadcast %broadcast_in_dim3A_91 : f32 to vector<16xf32>
      %add3A_93 = arith.constant 0 : i32
      %add3A_94 = vector.broadcast %add3A_93 : i32 to vector<16xi32>
      %add3A_95 = arith.addi %add3A_88, %add3A_94 : vector<16xi32>
      %gather3A_96 = tpu.vector_load_idx %arg11[%add3A_95] : memref<4096xf32, #tpu.memory_space<vmem>>[vector<16xi32>], vector<16xf32>,
      %add3A_97 = arith.constant 0 : i32
      %add3A_98 = vector.broadcast %add3A_97 : i32 to vector<16xi32>
      %add3A_99 = arith.addi %add3A_88, %add3A_98 : vector<16xi32>
      %gather3A_100 = tpu.vector_load_idx %arg12[%add3A_99] : memref<4096xi32, #tpu.memory_space<vmem>>[vector<16xi32>], vector<16xi32>,
      %mul3A_101 = arith.constant 3 : i32
      %mul3A_102 = vector.broadcast %mul3A_101 : i32 to vector<16xi32>
      %mul3A_103 = arith.muli %gather3A_100, %mul3A_102 : vector<16xi32>
      %gather3A_104 = tpu.vector_load_idx %arg8[%mul3A_103] : memref<6144xf32, #tpu.memory_space<vmem>>[vector<16xi32>], vector<16xf32>,
      %add3A_105 = arith.constant 1 : i32
      %add3A_106 = vector.broadcast %add3A_105 : i32 to vector<16xi32>
      %add3A_107 = arith.addi %mul3A_103, %add3A_106 : vector<16xi32>
      %gather3A_108 = tpu.vector_load_idx %arg8[%add3A_107] : memref<6144xf32, #tpu.memory_space<vmem>>[vector<16xi32>], vector<16xf32>,
      %add3A_109 = arith.constant 2 : i32
      %add3A_110 = vector.broadcast %add3A_109 : i32 to vector<16xi32>
      %add3A_111 = arith.addi %mul3A_103, %add3A_110 : vector<16xi32>
      %gather3A_112 = tpu.vector_load_idx %arg8[%add3A_111] : memref<6144xf32, #tpu.memory_space<vmem>>[vector<16xi32>], vector<16xf32>,
      %gather3A_113 = tpu.vector_load_idx %arg9[%mul3A_103] : memref<6144xf32, #tpu.memory_space<vmem>>[vector<16xi32>], vector<16xf32>,
      %add3A_114 = arith.constant 1 : i32
      %add3A_115 = vector.broadcast %add3A_114 : i32 to vector<16xi32>
      %add3A_116 = arith.addi %mul3A_103, %add3A_115 : vector<16xi32>
      %gather3A_117 = tpu.vector_load_idx %arg9[%add3A_116] : memref<6144xf32, #tpu.memory_space<vmem>>[vector<16xi32>], vector<16xf32>,
      %add3A_118 = arith.constant 2 : i32
      %add3A_119 = vector.broadcast %add3A_118 : i32 to vector<16xi32>
      %add3A_120 = arith.addi %mul3A_103, %add3A_119 : vector<16xi32>
      %gather3A_121 = tpu.vector_load_idx %arg9[%add3A_120] : memref<6144xf32, #tpu.memory_space<vmem>>[vector<16xi32>], vector<16xf32>,
      %mul3A_122 = arith.mulf %gather3A_113, %gather3A_113 : vector<16xf32>
      %mul3A_123 = arith.mulf %gather3A_117, %gather3A_117 : vector<16xf32>
      %add3A_124 = arith.addf %mul3A_122, %mul3A_123 : vector<16xf32>
      %mul3A_125 = arith.mulf %gather3A_121, %gather3A_121 : vector<16xf32>
      %add3A_126 = arith.addf %add3A_124, %mul3A_125 : vector<16xf32>
      %sub3A_127 = arith.constant 1.000000e+00 : f32
      %sub3A_128 = vector.broadcast %sub3A_127 : f32 to vector<16xf32>
      %sub3A_129 = arith.subf %sub3A_128, %add3A_126 : vector<16xf32>
      %neg3A = arith.constant 0.000000e+00 : f32
      %neg3A_130 = vector.broadcast %neg3A : f32 to vector<16xf32>
      %neg3A_131 = arith.subf %neg3A_130, %sub3A_129 : vector<16xf32>
      %div3A_132 = arith.constant 0.0340741724 : f32
      %div3A_133 = vector.broadcast %div3A_132 : f32 to vector<16xf32>
      %div3A_134 = arith.divf %neg3A_131, %div3A_133 : vector<16xf32>
      %exp3A = math.exp %div3A_134 : vector<16xf32>
      %neg3A_135 = arith.constant 0.000000e+00 : f32
      %neg3A_136 = vector.broadcast %neg3A_135 : f32 to vector<16xf32>
      %neg3A_137 = arith.subf %neg3A_136, %gather3A_96 : vector<16xf32>
      %div3A_138 = arith.constant 8.99999984E-4 : f32
      %div3A_139 = vector.broadcast %div3A_138 : f32 to vector<16xf32>
      %div3A_140 = arith.divf %neg3A_137, %div3A_139 : vector<16xf32>
      %exp3A_141 = math.exp %div3A_140 : vector<16xf32>
      %mul3A_142 = arith.mulf %exp3A_141, %exp3A : vector<16xf32>
      %sub3A_143 = arith.subf %gather3A, %gather3A_104 : vector<16xf32>
      %mul3A_144 = arith.mulf %sub3A_143, %gather3A_113 : vector<16xf32>
      %sub3A_145 = arith.subf %gather3A_77, %gather3A_108 : vector<16xf32>
      %mul3A_146 = arith.mulf %sub3A_145, %gather3A_117 : vector<16xf32>
      %add3A_147 = arith.addf %mul3A_144, %mul3A_146 : vector<16xf32>
      %sub3A_148 = arith.subf %gather3A_81, %gather3A_112 : vector<16xf32>
      %mul3A_149 = arith.mulf %sub3A_148, %gather3A_121 : vector<16xf32>
      %add3A_150 = arith.addf %add3A_147, %mul3A_149 : vector<16xf32>
      %abs3A = math.absf %add3A_150 : vector<16xf32>
      %mul3A_151 = arith.mulf %abs3A, %mul3A_142 : vector<16xf32>
      %add3A_152 = arith.addf %broadcast_in_dim3A_90, %mul3A_151 : vector<16xf32>
      %add3A_153 = arith.addf %broadcast_in_dim3A_92, %mul3A_142 : vector<16xf32>
      %add3A_154 = arith.constant 1 : i32
      %add3A_155 = vector.broadcast %add3A_154 : i32 to vector<16xi32>
      %add3A_156 = arith.addi %add3A_88, %add3A_155 : vector<16xi32>
      %gather3A_157 = tpu.vector_load_idx %arg11[%add3A_156] : memref<4096xf32, #tpu.memory_space<vmem>>[vector<16xi32>], vector<16xf32>,
      %add3A_158 = arith.constant 1 : i32
      %add3A_159 = vector.broadcast %add3A_158 : i32 to vector<16xi32>
      %add3A_160 = arith.addi %add3A_88, %add3A_159 : vector<16xi32>
      %gather3A_161 = tpu.vector_load_idx %arg12[%add3A_160] : memref<4096xi32, #tpu.memory_space<vmem>>[vector<16xi32>], vector<16xi32>,
      %mul3A_162 = arith.constant 3 : i32
      %mul3A_163 = vector.broadcast %mul3A_162 : i32 to vector<16xi32>
      %mul3A_164 = arith.muli %gather3A_161, %mul3A_163 : vector<16xi32>
      %gather3A_165 = tpu.vector_load_idx %arg8[%mul3A_164] : memref<6144xf32, #tpu.memory_space<vmem>>[vector<16xi32>], vector<16xf32>,
      %add3A_166 = arith.constant 1 : i32
      %add3A_167 = vector.broadcast %add3A_166 : i32 to vector<16xi32>
      %add3A_168 = arith.addi %mul3A_164, %add3A_167 : vector<16xi32>
      %gather3A_169 = tpu.vector_load_idx %arg8[%add3A_168] : memref<6144xf32, #tpu.memory_space<vmem>>[vector<16xi32>], vector<16xf32>,
      %add3A_170 = arith.constant 2 : i32
      %add3A_171 = vector.broadcast %add3A_170 : i32 to vector<16xi32>
      %add3A_172 = arith.addi %mul3A_164, %add3A_171 : vector<16xi32>
      %gather3A_173 = tpu.vector_load_idx %arg8[%add3A_172] : memref<6144xf32, #tpu.memory_space<vmem>>[vector<16xi32>], vector<16xf32>,
      %gather3A_174 = tpu.vector_load_idx %arg9[%mul3A_164] : memref<6144xf32, #tpu.memory_space<vmem>>[vector<16xi32>], vector<16xf32>,
      %add3A_175 = arith.constant 1 : i32
      %add3A_176 = vector.broadcast %add3A_175 : i32 to vector<16xi32>
      %add3A_177 = arith.addi %mul3A_164, %add3A_176 : vector<16xi32>
      %gather3A_178 = tpu.vector_load_idx %arg9[%add3A_177] : memref<6144xf32, #tpu.memory_space<vmem>>[vector<16xi32>], vector<16xf32>,
      %add3A_179 = arith.constant 2 : i32
      %add3A_180 = vector.broadcast %add3A_179 : i32 to vector<16xi32>
      %add3A_181 = arith.addi %mul3A_164, %add3A_180 : vector<16xi32>
      %gather3A_182 = tpu.vector_load_idx %arg9[%add3A_181] : memref<6144xf32, #tpu.memory_space<vmem>>[vector<16xi32>], vector<16xf32>,
      %mul3A_183 = arith.mulf %gather3A_174, %gather3A_113 : vector<16xf32>
      %mul3A_184 = arith.mulf %gather3A_178, %gather3A_117 : vector<16xf32>
      %add3A_185 = arith.addf %mul3A_183, %mul3A_184 : vector<16xf32>
      %mul3A_186 = arith.mulf %gather3A_182, %gather3A_121 : vector<16xf32>
      %add3A_187 = arith.addf %add3A_185, %mul3A_186 : vector<16xf32>
      %sub3A_188 = arith.constant 1.000000e+00 : f32
      %sub3A_189 = vector.broadcast %sub3A_188 : f32 to vector<16xf32>
      %sub3A_190 = arith.subf %sub3A_189, %add3A_187 : vector<16xf32>
      %neg3A_191 = arith.constant 0.000000e+00 : f32
      %neg3A_192 = vector.broadcast %neg3A_191 : f32 to vector<16xf32>
      %neg3A_193 = arith.subf %neg3A_192, %sub3A_190 : vector<16xf32>
      %div3A_194 = arith.constant 0.0340741724 : f32
      %div3A_195 = vector.broadcast %div3A_194 : f32 to vector<16xf32>
      %div3A_196 = arith.divf %neg3A_193, %div3A_195 : vector<16xf32>
      %exp3A_197 = math.exp %div3A_196 : vector<16xf32>
      %neg3A_198 = arith.constant 0.000000e+00 : f32
      %neg3A_199 = vector.broadcast %neg3A_198 : f32 to vector<16xf32>
      %neg3A_200 = arith.subf %neg3A_199, %gather3A_157 : vector<16xf32>
      %div3A_201 = arith.constant 8.99999984E-4 : f32
      %div3A_202 = vector.broadcast %div3A_201 : f32 to vector<16xf32>
      %div3A_203 = arith.divf %neg3A_200, %div3A_202 : vector<16xf32>
      %exp3A_204 = math.exp %div3A_203 : vector<16xf32>
      %mul3A_205 = arith.mulf %exp3A_204, %exp3A_197 : vector<16xf32>
      %sub3A_206 = arith.subf %gather3A, %gather3A_165 : vector<16xf32>
      %mul3A_207 = arith.mulf %sub3A_206, %gather3A_174 : vector<16xf32>
      %sub3A_208 = arith.subf %gather3A_77, %gather3A_169 : vector<16xf32>
      %mul3A_209 = arith.mulf %sub3A_208, %gather3A_178 : vector<16xf32>
      %add3A_210 = arith.addf %mul3A_207, %mul3A_209 : vector<16xf32>
      %sub3A_211 = arith.subf %gather3A_81, %gather3A_173 : vector<16xf32>
      %mul3A_212 = arith.mulf %sub3A_211, %gather3A_182 : vector<16xf32>
      %add3A_213 = arith.addf %add3A_210, %mul3A_212 : vector<16xf32>
      %abs3A_214 = math.absf %add3A_213 : vector<16xf32>
      %mul3A_215 = arith.mulf %abs3A_214, %mul3A_205 : vector<16xf32>
      %add3A_216 = arith.addf %add3A_152, %mul3A_215 : vector<16xf32>
      %add3A_217 = arith.addf %add3A_153, %mul3A_205 : vector<16xf32>
      %add3A_218 = arith.constant 2 : i32
      %add3A_219 = vector.broadcast %add3A_218 : i32 to vector<16xi32>
      %add3A_220 = arith.addi %add3A_88, %add3A_219 : vector<16xi32>
      %gather3A_221 = tpu.vector_load_idx %arg11[%add3A_220] : memref<4096xf32, #tpu.memory_space<vmem>>[vector<16xi32>], vector<16xf32>,
      %add3A_222 = arith.constant 2 : i32
      %add3A_223 = vector.broadcast %add3A_222 : i32 to vector<16xi32>
      %add3A_224 = arith.addi %add3A_88, %add3A_223 : vector<16xi32>
      %gather3A_225 = tpu.vector_load_idx %arg12[%add3A_224] : memref<4096xi32, #tpu.memory_space<vmem>>[vector<16xi32>], vector<16xi32>,
      %mul3A_226 = arith.constant 3 : i32
      %mul3A_227 = vector.broadcast %mul3A_226 : i32 to vector<16xi32>
      %mul3A_228 = arith.muli %gather3A_225, %mul3A_227 : vector<16xi32>
      %gather3A_229 = tpu.vector_load_idx %arg8[%mul3A_228] : memref<6144xf32, #tpu.memory_space<vmem>>[vector<16xi32>], vector<16xf32>,
      %add3A_230 = arith.constant 1 : i32
      %add3A_231 = vector.broadcast %add3A_230 : i32 to vector<16xi32>
      %add3A_232 = arith.addi %mul3A_228, %add3A_231 : vector<16xi32>
      %gather3A_233 = tpu.vector_load_idx %arg8[%add3A_232] : memref<6144xf32, #tpu.memory_space<vmem>>[vector<16xi32>], vector<16xf32>,
      %add3A_234 = arith.constant 2 : i32
      %add3A_235 = vector.broadcast %add3A_234 : i32 to vector<16xi32>
      %add3A_236 = arith.addi %mul3A_228, %add3A_235 : vector<16xi32>
      %gather3A_237 = tpu.vector_load_idx %arg8[%add3A_236] : memref<6144xf32, #tpu.memory_space<vmem>>[vector<16xi32>], vector<16xf32>,
      %gather3A_238 = tpu.vector_load_idx %arg9[%mul3A_228] : memref<6144xf32, #tpu.memory_space<vmem>>[vector<16xi32>], vector<16xf32>,
      %add3A_239 = arith.constant 1 : i32
      %add3A_240 = vector.broadcast %add3A_239 : i32 to vector<16xi32>
      %add3A_241 = arith.addi %mul3A_228, %add3A_240 : vector<16xi32>
      %gather3A_242 = tpu.vector_load_idx %arg9[%add3A_241] : memref<6144xf32, #tpu.memory_space<vmem>>[vector<16xi32>], vector<16xf32>,
      %add3A_243 = arith.constant 2 : i32
      %add3A_244 = vector.broadcast %add3A_243 : i32 to vector<16xi32>
      %add3A_245 = arith.addi %mul3A_228, %add3A_244 : vector<16xi32>
      %gather3A_246 = tpu.vector_load_idx %arg9[%add3A_245] : memref<6144xf32, #tpu.memory_space<vmem>>[vector<16xi32>], vector<16xf32>,
      %mul3A_247 = arith.mulf %gather3A_238, %gather3A_113 : vector<16xf32>
      %mul3A_248 = arith.mulf %gather3A_242, %gather3A_117 : vector<16xf32>
      %add3A_249 = arith.addf %mul3A_247, %mul3A_248 : vector<16xf32>
      %mul3A_250 = arith.mulf %gather3A_246, %gather3A_121 : vector<16xf32>
      %add3A_251 = arith.addf %add3A_249, %mul3A_250 : vector<16xf32>
      %sub3A_252 = arith.constant 1.000000e+00 : f32
      %sub3A_253 = vector.broadcast %sub3A_252 : f32 to vector<16xf32>
      %sub3A_254 = arith.subf %sub3A_253, %add3A_251 : vector<16xf32>
      %neg3A_255 = arith.constant 0.000000e+00 : f32
      %neg3A_256 = vector.broadcast %neg3A_255 : f32 to vector<16xf32>
      %neg3A_257 = arith.subf %neg3A_256, %sub3A_254 : vector<16xf32>
      %div3A_258 = arith.constant 0.0340741724 : f32
      %div3A_259 = vector.broadcast %div3A_258 : f32 to vector<16xf32>
      %div3A_260 = arith.divf %neg3A_257, %div3A_259 : vector<16xf32>
      %exp3A_261 = math.exp %div3A_260 : vector<16xf32>
      %neg3A_262 = arith.constant 0.000000e+00 : f32
      %neg3A_263 = vector.broadcast %neg3A_262 : f32 to vector<16xf32>
      %neg3A_264 = arith.subf %neg3A_263, %gather3A_221 : vector<16xf32>
      %div3A_265 = arith.constant 8.99999984E-4 : f32
      %div3A_266 = vector.broadcast %div3A_265 : f32 to vector<16xf32>
      %div3A_267 = arith.divf %neg3A_264, %div3A_266 : vector<16xf32>
      %exp3A_268 = math.exp %div3A_267 : vector<16xf32>
      %mul3A_269 = arith.mulf %exp3A_268, %exp3A_261 : vector<16xf32>
      %sub3A_270 = arith.subf %gather3A, %gather3A_229 : vector<16xf32>
      %mul3A_271 = arith.mulf %sub3A_270, %gather3A_238 : vector<16xf32>
      %sub3A_272 = arith.subf %gather3A_77, %gather3A_233 : vector<16xf32>
      %mul3A_273 = arith.mulf %sub3A_272, %gather3A_242 : vector<16xf32>
      %add3A_274 = arith.addf %mul3A_271, %mul3A_273 : vector<16xf32>
      %sub3A_275 = arith.subf %gather3A_81, %gather3A_237 : vector<16xf32>
      %mul3A_276 = arith.mulf %sub3A_275, %gather3A_246 : vector<16xf32>
      %add3A_277 = arith.addf %add3A_274, %mul3A_276 : vector<16xf32>
      %abs3A_278 = math.absf %add3A_277 : vector<16xf32>
      %mul3A_279 = arith.mulf %abs3A_278, %mul3A_269 : vector<16xf32>
      %add3A_280 = arith.addf %add3A_216, %mul3A_279 : vector<16xf32>
      %add3A_281 = arith.addf %add3A_217, %mul3A_269 : vector<16xf32>
      %add3A_282 = arith.constant 3 : i32
      %add3A_283 = vector.broadcast %add3A_282 : i32 to vector<16xi32>
      %add3A_284 = arith.addi %add3A_88, %add3A_283 : vector<16xi32>
      %gather3A_285 = tpu.vector_load_idx %arg11[%add3A_284] : memref<4096xf32, #tpu.memory_space<vmem>>[vector<16xi32>], vector<16xf32>,
      %add3A_286 = arith.constant 3 : i32
      %add3A_287 = vector.broadcast %add3A_286 : i32 to vector<16xi32>
      %add3A_288 = arith.addi %add3A_88, %add3A_287 : vector<16xi32>
      %gather3A_289 = tpu.vector_load_idx %arg12[%add3A_288] : memref<4096xi32, #tpu.memory_space<vmem>>[vector<16xi32>], vector<16xi32>,
      %mul3A_290 = arith.constant 3 : i32
      %mul3A_291 = vector.broadcast %mul3A_290 : i32 to vector<16xi32>
      %mul3A_292 = arith.muli %gather3A_289, %mul3A_291 : vector<16xi32>
      %gather3A_293 = tpu.vector_load_idx %arg8[%mul3A_292] : memref<6144xf32, #tpu.memory_space<vmem>>[vector<16xi32>], vector<16xf32>,
      %add3A_294 = arith.constant 1 : i32
      %add3A_295 = vector.broadcast %add3A_294 : i32 to vector<16xi32>
      %add3A_296 = arith.addi %mul3A_292, %add3A_295 : vector<16xi32>
      %gather3A_297 = tpu.vector_load_idx %arg8[%add3A_296] : memref<6144xf32, #tpu.memory_space<vmem>>[vector<16xi32>], vector<16xf32>,
      %add3A_298 = arith.constant 2 : i32
      %add3A_299 = vector.broadcast %add3A_298 : i32 to vector<16xi32>
      %add3A_300 = arith.addi %mul3A_292, %add3A_299 : vector<16xi32>
      %gather3A_301 = tpu.vector_load_idx %arg8[%add3A_300] : memref<6144xf32, #tpu.memory_space<vmem>>[vector<16xi32>], vector<16xf32>,
      %gather3A_302 = tpu.vector_load_idx %arg9[%mul3A_292] : memref<6144xf32, #tpu.memory_space<vmem>>[vector<16xi32>], vector<16xf32>,
      %add3A_303 = arith.constant 1 : i32
      %add3A_304 = vector.broadcast %add3A_303 : i32 to vector<16xi32>
      %add3A_305 = arith.addi %mul3A_292, %add3A_304 : vector<16xi32>
      %gather3A_306 = tpu.vector_load_idx %arg9[%add3A_305] : memref<6144xf32, #tpu.memory_space<vmem>>[vector<16xi32>], vector<16xf32>,
      %add3A_307 = arith.constant 2 : i32
      %add3A_308 = vector.broadcast %add3A_307 : i32 to vector<16xi32>
      %add3A_309 = arith.addi %mul3A_292, %add3A_308 : vector<16xi32>
      %gather3A_310 = tpu.vector_load_idx %arg9[%add3A_309] : memref<6144xf32, #tpu.memory_space<vmem>>[vector<16xi32>], vector<16xf32>,
      %mul3A_311 = arith.mulf %gather3A_302, %gather3A_113 : vector<16xf32>
      %mul3A_312 = arith.mulf %gather3A_306, %gather3A_117 : vector<16xf32>
      %add3A_313 = arith.addf %mul3A_311, %mul3A_312 : vector<16xf32>
      %mul3A_314 = arith.mulf %gather3A_310, %gather3A_121 : vector<16xf32>
      %add3A_315 = arith.addf %add3A_313, %mul3A_314 : vector<16xf32>
      %sub3A_316 = arith.constant 1.000000e+00 : f32
      %sub3A_317 = vector.broadcast %sub3A_316 : f32 to vector<16xf32>
      %sub3A_318 = arith.subf %sub3A_317, %add3A_315 : vector<16xf32>
      %neg3A_319 = arith.constant 0.000000e+00 : f32
      %neg3A_320 = vector.broadcast %neg3A_319 : f32 to vector<16xf32>
      %neg3A_321 = arith.subf %neg3A_320, %sub3A_318 : vector<16xf32>
      %div3A_322 = arith.constant 0.0340741724 : f32
      %div3A_323 = vector.broadcast %div3A_322 : f32 to vector<16xf32>
      %div3A_324 = arith.divf %neg3A_321, %div3A_323 : vector<16xf32>
      %exp3A_325 = math.exp %div3A_324 : vector<16xf32>
      %neg3A_326 = arith.constant 0.000000e+00 : f32
      %neg3A_327 = vector.broadcast %neg3A_326 : f32 to vector<16xf32>
      %neg3A_328 = arith.subf %neg3A_327, %gather3A_285 : vector<16xf32>
      %div3A_329 = arith.constant 8.99999984E-4 : f32
      %div3A_330 = vector.broadcast %div3A_329 : f32 to vector<16xf32>
      %div3A_331 = arith.divf %neg3A_328, %div3A_330 : vector<16xf32>
      %exp3A_332 = math.exp %div3A_331 : vector<16xf32>
      %mul3A_333 = arith.mulf %exp3A_332, %exp3A_325 : vector<16xf32>
      %sub3A_334 = arith.subf %gather3A, %gather3A_293 : vector<16xf32>
      %mul3A_335 = arith.mulf %sub3A_334, %gather3A_302 : vector<16xf32>
      %sub3A_336 = arith.subf %gather3A_77, %gather3A_297 : vector<16xf32>
      %mul3A_337 = arith.mulf %sub3A_336, %gather3A_306 : vector<16xf32>
      %add3A_338 = arith.addf %mul3A_335, %mul3A_337 : vector<16xf32>
      %sub3A_339 = arith.subf %gather3A_81, %gather3A_301 : vector<16xf32>
      %mul3A_340 = arith.mulf %sub3A_339, %gather3A_310 : vector<16xf32>
      %add3A_341 = arith.addf %add3A_338, %mul3A_340 : vector<16xf32>
      %abs3A_342 = math.absf %add3A_341 : vector<16xf32>
      %mul3A_343 = arith.mulf %abs3A_342, %mul3A_333 : vector<16xf32>
      %add3A_344 = arith.addf %add3A_280, %mul3A_343 : vector<16xf32>
      %add3A_345 = arith.addf %add3A_281, %mul3A_333 : vector<16xf32>
      %add3A_346 = arith.constant 4 : i32
      %add3A_347 = vector.broadcast %add3A_346 : i32 to vector<16xi32>
      %add3A_348 = arith.addi %add3A_88, %add3A_347 : vector<16xi32>
      %gather3A_349 = tpu.vector_load_idx %arg11[%add3A_348] : memref<4096xf32, #tpu.memory_space<vmem>>[vector<16xi32>], vector<16xf32>,
      %add3A_350 = arith.constant 4 : i32
      %add3A_351 = vector.broadcast %add3A_350 : i32 to vector<16xi32>
      %add3A_352 = arith.addi %add3A_88, %add3A_351 : vector<16xi32>
      %gather3A_353 = tpu.vector_load_idx %arg12[%add3A_352] : memref<4096xi32, #tpu.memory_space<vmem>>[vector<16xi32>], vector<16xi32>,
      %mul3A_354 = arith.constant 3 : i32
      %mul3A_355 = vector.broadcast %mul3A_354 : i32 to vector<16xi32>
      %mul3A_356 = arith.muli %gather3A_353, %mul3A_355 : vector<16xi32>
      %gather3A_357 = tpu.vector_load_idx %arg8[%mul3A_356] : memref<6144xf32, #tpu.memory_space<vmem>>[vector<16xi32>], vector<16xf32>,
      %add3A_358 = arith.constant 1 : i32
      %add3A_359 = vector.broadcast %add3A_358 : i32 to vector<16xi32>
      %add3A_360 = arith.addi %mul3A_356, %add3A_359 : vector<16xi32>
      %gather3A_361 = tpu.vector_load_idx %arg8[%add3A_360] : memref<6144xf32, #tpu.memory_space<vmem>>[vector<16xi32>], vector<16xf32>,
      %add3A_362 = arith.constant 2 : i32
      %add3A_363 = vector.broadcast %add3A_362 : i32 to vector<16xi32>
      %add3A_364 = arith.addi %mul3A_356, %add3A_363 : vector<16xi32>
      %gather3A_365 = tpu.vector_load_idx %arg8[%add3A_364] : memref<6144xf32, #tpu.memory_space<vmem>>[vector<16xi32>], vector<16xf32>,
      %gather3A_366 = tpu.vector_load_idx %arg9[%mul3A_356] : memref<6144xf32, #tpu.memory_space<vmem>>[vector<16xi32>], vector<16xf32>,
      %add3A_367 = arith.constant 1 : i32
      %add3A_368 = vector.broadcast %add3A_367 : i32 to vector<16xi32>
      %add3A_369 = arith.addi %mul3A_356, %add3A_368 : vector<16xi32>
      %gather3A_370 = tpu.vector_load_idx %arg9[%add3A_369] : memref<6144xf32, #tpu.memory_space<vmem>>[vector<16xi32>], vector<16xf32>,
      %add3A_371 = arith.constant 2 : i32
      %add3A_372 = vector.broadcast %add3A_371 : i32 to vector<16xi32>
      %add3A_373 = arith.addi %mul3A_356, %add3A_372 : vector<16xi32>
      %gather3A_374 = tpu.vector_load_idx %arg9[%add3A_373] : memref<6144xf32, #tpu.memory_space<vmem>>[vector<16xi32>], vector<16xf32>,
      %mul3A_375 = arith.mulf %gather3A_366, %gather3A_113 : vector<16xf32>
      %mul3A_376 = arith.mulf %gather3A_370, %gather3A_117 : vector<16xf32>
      %add3A_377 = arith.addf %mul3A_375, %mul3A_376 : vector<16xf32>
      %mul3A_378 = arith.mulf %gather3A_374, %gather3A_121 : vector<16xf32>
      %add3A_379 = arith.addf %add3A_377, %mul3A_378 : vector<16xf32>
      %sub3A_380 = arith.constant 1.000000e+00 : f32
      %sub3A_381 = vector.broadcast %sub3A_380 : f32 to vector<16xf32>
      %sub3A_382 = arith.subf %sub3A_381, %add3A_379 : vector<16xf32>
      %neg3A_383 = arith.constant 0.000000e+00 : f32
      %neg3A_384 = vector.broadcast %neg3A_383 : f32 to vector<16xf32>
      %neg3A_385 = arith.subf %neg3A_384, %sub3A_382 : vector<16xf32>
      %div3A_386 = arith.constant 0.0340741724 : f32
      %div3A_387 = vector.broadcast %div3A_386 : f32 to vector<16xf32>
      %div3A_388 = arith.divf %neg3A_385, %div3A_387 : vector<16xf32>
      %exp3A_389 = math.exp %div3A_388 : vector<16xf32>
      %neg3A_390 = arith.constant 0.000000e+00 : f32
      %neg3A_391 = vector.broadcast %neg3A_390 : f32 to vector<16xf32>
      %neg3A_392 = arith.subf %neg3A_391, %gather3A_349 : vector<16xf32>
      %div3A_393 = arith.constant 8.99999984E-4 : f32
      %div3A_394 = vector.broadcast %div3A_393 : f32 to vector<16xf32>
      %div3A_395 = arith.divf %neg3A_392, %div3A_394 : vector<16xf32>
      %exp3A_396 = math.exp %div3A_395 : vector<16xf32>
      %mul3A_397 = arith.mulf %exp3A_396, %exp3A_389 : vector<16xf32>
      %sub3A_398 = arith.subf %gather3A, %gather3A_357 : vector<16xf32>
      %mul3A_399 = arith.mulf %sub3A_398, %gather3A_366 : vector<16xf32>
      %sub3A_400 = arith.subf %gather3A_77, %gather3A_361 : vector<16xf32>
      %mul3A_401 = arith.mulf %sub3A_400, %gather3A_370 : vector<16xf32>
      %add3A_402 = arith.addf %mul3A_399, %mul3A_401 : vector<16xf32>
      %sub3A_403 = arith.subf %gather3A_81, %gather3A_365 : vector<16xf32>
      %mul3A_404 = arith.mulf %sub3A_403, %gather3A_374 : vector<16xf32>
      %add3A_405 = arith.addf %add3A_402, %mul3A_404 : vector<16xf32>
      %abs3A_406 = math.absf %add3A_405 : vector<16xf32>
      %mul3A_407 = arith.mulf %abs3A_406, %mul3A_397 : vector<16xf32>
      %add3A_408 = arith.addf %add3A_344, %mul3A_407 : vector<16xf32>
      %add3A_409 = arith.addf %add3A_345, %mul3A_397 : vector<16xf32>
      %add3A_410 = arith.constant 5 : i32
      %add3A_411 = vector.broadcast %add3A_410 : i32 to vector<16xi32>
      %add3A_412 = arith.addi %add3A_88, %add3A_411 : vector<16xi32>
      %gather3A_413 = tpu.vector_load_idx %arg11[%add3A_412] : memref<4096xf32, #tpu.memory_space<vmem>>[vector<16xi32>], vector<16xf32>,
      %add3A_414 = arith.constant 5 : i32
      %add3A_415 = vector.broadcast %add3A_414 : i32 to vector<16xi32>
      %add3A_416 = arith.addi %add3A_88, %add3A_415 : vector<16xi32>
      %gather3A_417 = tpu.vector_load_idx %arg12[%add3A_416] : memref<4096xi32, #tpu.memory_space<vmem>>[vector<16xi32>], vector<16xi32>,
      %mul3A_418 = arith.constant 3 : i32
      %mul3A_419 = vector.broadcast %mul3A_418 : i32 to vector<16xi32>
      %mul3A_420 = arith.muli %gather3A_417, %mul3A_419 : vector<16xi32>
      %gather3A_421 = tpu.vector_load_idx %arg8[%mul3A_420] : memref<6144xf32, #tpu.memory_space<vmem>>[vector<16xi32>], vector<16xf32>,
      %add3A_422 = arith.constant 1 : i32
      %add3A_423 = vector.broadcast %add3A_422 : i32 to vector<16xi32>
      %add3A_424 = arith.addi %mul3A_420, %add3A_423 : vector<16xi32>
      %gather3A_425 = tpu.vector_load_idx %arg8[%add3A_424] : memref<6144xf32, #tpu.memory_space<vmem>>[vector<16xi32>], vector<16xf32>,
      %add3A_426 = arith.constant 2 : i32
      %add3A_427 = vector.broadcast %add3A_426 : i32 to vector<16xi32>
      %add3A_428 = arith.addi %mul3A_420, %add3A_427 : vector<16xi32>
      %gather3A_429 = tpu.vector_load_idx %arg8[%add3A_428] : memref<6144xf32, #tpu.memory_space<vmem>>[vector<16xi32>], vector<16xf32>,
      %gather3A_430 = tpu.vector_load_idx %arg9[%mul3A_420] : memref<6144xf32, #tpu.memory_space<vmem>>[vector<16xi32>], vector<16xf32>,
      %add3A_431 = arith.constant 1 : i32
      %add3A_432 = vector.broadcast %add3A_431 : i32 to vector<16xi32>
      %add3A_433 = arith.addi %mul3A_420, %add3A_432 : vector<16xi32>
      %gather3A_434 = tpu.vector_load_idx %arg9[%add3A_433] : memref<6144xf32, #tpu.memory_space<vmem>>[vector<16xi32>], vector<16xf32>,
      %add3A_435 = arith.constant 2 : i32
      %add3A_436 = vector.broadcast %add3A_435 : i32 to vector<16xi32>
      %add3A_437 = arith.addi %mul3A_420, %add3A_436 : vector<16xi32>
      %gather3A_438 = tpu.vector_load_idx %arg9[%add3A_437] : memref<6144xf32, #tpu.memory_space<vmem>>[vector<16xi32>], vector<16xf32>,
      %mul3A_439 = arith.mulf %gather3A_430, %gather3A_113 : vector<16xf32>
      %mul3A_440 = arith.mulf %gather3A_434, %gather3A_117 : vector<16xf32>
      %add3A_441 = arith.addf %mul3A_439, %mul3A_440 : vector<16xf32>
      %mul3A_442 = arith.mulf %gather3A_438, %gather3A_121 : vector<16xf32>
      %add3A_443 = arith.addf %add3A_441, %mul3A_442 : vector<16xf32>
      %sub3A_444 = arith.constant 1.000000e+00 : f32
      %sub3A_445 = vector.broadcast %sub3A_444 : f32 to vector<16xf32>
      %sub3A_446 = arith.subf %sub3A_445, %add3A_443 : vector<16xf32>
      %neg3A_447 = arith.constant 0.000000e+00 : f32
      %neg3A_448 = vector.broadcast %neg3A_447 : f32 to vector<16xf32>
      %neg3A_449 = arith.subf %neg3A_448, %sub3A_446 : vector<16xf32>
      %div3A_450 = arith.constant 0.0340741724 : f32
      %div3A_451 = vector.broadcast %div3A_450 : f32 to vector<16xf32>
      %div3A_452 = arith.divf %neg3A_449, %div3A_451 : vector<16xf32>
      %exp3A_453 = math.exp %div3A_452 : vector<16xf32>
      %neg3A_454 = arith.constant 0.000000e+00 : f32
      %neg3A_455 = vector.broadcast %neg3A_454 : f32 to vector<16xf32>
      %neg3A_456 = arith.subf %neg3A_455, %gather3A_413 : vector<16xf32>
      %div3A_457 = arith.constant 8.99999984E-4 : f32
      %div3A_458 = vector.broadcast %div3A_457 : f32 to vector<16xf32>
      %div3A_459 = arith.divf %neg3A_456, %div3A_458 : vector<16xf32>
      %exp3A_460 = math.exp %div3A_459 : vector<16xf32>
      %mul3A_461 = arith.mulf %exp3A_460, %exp3A_453 : vector<16xf32>
      %sub3A_462 = arith.subf %gather3A, %gather3A_421 : vector<16xf32>
      %mul3A_463 = arith.mulf %sub3A_462, %gather3A_430 : vector<16xf32>
      %sub3A_464 = arith.subf %gather3A_77, %gather3A_425 : vector<16xf32>
      %mul3A_465 = arith.mulf %sub3A_464, %gather3A_434 : vector<16xf32>
      %add3A_466 = arith.addf %mul3A_463, %mul3A_465 : vector<16xf32>
      %sub3A_467 = arith.subf %gather3A_81, %gather3A_429 : vector<16xf32>
      %mul3A_468 = arith.mulf %sub3A_467, %gather3A_438 : vector<16xf32>
      %add3A_469 = arith.addf %add3A_466, %mul3A_468 : vector<16xf32>
      %abs3A_470 = math.absf %add3A_469 : vector<16xf32>
      %mul3A_471 = arith.mulf %abs3A_470, %mul3A_461 : vector<16xf32>
      %add3A_472 = arith.addf %add3A_408, %mul3A_471 : vector<16xf32>
      %add3A_473 = arith.addf %add3A_409, %mul3A_461 : vector<16xf32>
      %add3A_474 = arith.constant 6 : i32
      %add3A_475 = vector.broadcast %add3A_474 : i32 to vector<16xi32>
      %add3A_476 = arith.addi %add3A_88, %add3A_475 : vector<16xi32>
      %gather3A_477 = tpu.vector_load_idx %arg11[%add3A_476] : memref<4096xf32, #tpu.memory_space<vmem>>[vector<16xi32>], vector<16xf32>,
      %add3A_478 = arith.constant 6 : i32
      %add3A_479 = vector.broadcast %add3A_478 : i32 to vector<16xi32>
      %add3A_480 = arith.addi %add3A_88, %add3A_479 : vector<16xi32>
      %gather3A_481 = tpu.vector_load_idx %arg12[%add3A_480] : memref<4096xi32, #tpu.memory_space<vmem>>[vector<16xi32>], vector<16xi32>,
      %mul3A_482 = arith.constant 3 : i32
      %mul3A_483 = vector.broadcast %mul3A_482 : i32 to vector<16xi32>
      %mul3A_484 = arith.muli %gather3A_481, %mul3A_483 : vector<16xi32>
      %gather3A_485 = tpu.vector_load_idx %arg8[%mul3A_484] : memref<6144xf32, #tpu.memory_space<vmem>>[vector<16xi32>], vector<16xf32>,
      %add3A_486 = arith.constant 1 : i32
      %add3A_487 = vector.broadcast %add3A_486 : i32 to vector<16xi32>
      %add3A_488 = arith.addi %mul3A_484, %add3A_487 : vector<16xi32>
      %gather3A_489 = tpu.vector_load_idx %arg8[%add3A_488] : memref<6144xf32, #tpu.memory_space<vmem>>[vector<16xi32>], vector<16xf32>,
      %add3A_490 = arith.constant 2 : i32
      %add3A_491 = vector.broadcast %add3A_490 : i32 to vector<16xi32>
      %add3A_492 = arith.addi %mul3A_484, %add3A_491 : vector<16xi32>
      %gather3A_493 = tpu.vector_load_idx %arg8[%add3A_492] : memref<6144xf32, #tpu.memory_space<vmem>>[vector<16xi32>], vector<16xf32>,
      %gather3A_494 = tpu.vector_load_idx %arg9[%mul3A_484] : memref<6144xf32, #tpu.memory_space<vmem>>[vector<16xi32>], vector<16xf32>,
      %add3A_495 = arith.constant 1 : i32
      %add3A_496 = vector.broadcast %add3A_495 : i32 to vector<16xi32>
      %add3A_497 = arith.addi %mul3A_484, %add3A_496 : vector<16xi32>
      %gather3A_498 = tpu.vector_load_idx %arg9[%add3A_497] : memref<6144xf32, #tpu.memory_space<vmem>>[vector<16xi32>], vector<16xf32>,
      %add3A_499 = arith.constant 2 : i32
      %add3A_500 = vector.broadcast %add3A_499 : i32 to vector<16xi32>
      %add3A_501 = arith.addi %mul3A_484, %add3A_500 : vector<16xi32>
      %gather3A_502 = tpu.vector_load_idx %arg9[%add3A_501] : memref<6144xf32, #tpu.memory_space<vmem>>[vector<16xi32>], vector<16xf32>,
      %mul3A_503 = arith.mulf %gather3A_494, %gather3A_113 : vector<16xf32>
      %mul3A_504 = arith.mulf %gather3A_498, %gather3A_117 : vector<16xf32>
      %add3A_505 = arith.addf %mul3A_503, %mul3A_504 : vector<16xf32>
      %mul3A_506 = arith.mulf %gather3A_502, %gather3A_121 : vector<16xf32>
      %add3A_507 = arith.addf %add3A_505, %mul3A_506 : vector<16xf32>
      %sub3A_508 = arith.constant 1.000000e+00 : f32
      %sub3A_509 = vector.broadcast %sub3A_508 : f32 to vector<16xf32>
      %sub3A_510 = arith.subf %sub3A_509, %add3A_507 : vector<16xf32>
      %neg3A_511 = arith.constant 0.000000e+00 : f32
      %neg3A_512 = vector.broadcast %neg3A_511 : f32 to vector<16xf32>
      %neg3A_513 = arith.subf %neg3A_512, %sub3A_510 : vector<16xf32>
      %div3A_514 = arith.constant 0.0340741724 : f32
      %div3A_515 = vector.broadcast %div3A_514 : f32 to vector<16xf32>
      %div3A_516 = arith.divf %neg3A_513, %div3A_515 : vector<16xf32>
      %exp3A_517 = math.exp %div3A_516 : vector<16xf32>
      %neg3A_518 = arith.constant 0.000000e+00 : f32
      %neg3A_519 = vector.broadcast %neg3A_518 : f32 to vector<16xf32>
      %neg3A_520 = arith.subf %neg3A_519, %gather3A_477 : vector<16xf32>
      %div3A_521 = arith.constant 8.99999984E-4 : f32
      %div3A_522 = vector.broadcast %div3A_521 : f32 to vector<16xf32>
      %div3A_523 = arith.divf %neg3A_520, %div3A_522 : vector<16xf32>
      %exp3A_524 = math.exp %div3A_523 : vector<16xf32>
      %mul3A_525 = arith.mulf %exp3A_524, %exp3A_517 : vector<16xf32>
      %sub3A_526 = arith.subf %gather3A, %gather3A_485 : vector<16xf32>
      %mul3A_527 = arith.mulf %sub3A_526, %gather3A_494 : vector<16xf32>
      %sub3A_528 = arith.subf %gather3A_77, %gather3A_489 : vector<16xf32>
      %mul3A_529 = arith.mulf %sub3A_528, %gather3A_498 : vector<16xf32>
      %add3A_530 = arith.addf %mul3A_527, %mul3A_529 : vector<16xf32>
      %sub3A_531 = arith.subf %gather3A_81, %gather3A_493 : vector<16xf32>
      %mul3A_532 = arith.mulf %sub3A_531, %gather3A_502 : vector<16xf32>
      %add3A_533 = arith.addf %add3A_530, %mul3A_532 : vector<16xf32>
      %abs3A_534 = math.absf %add3A_533 : vector<16xf32>
      %mul3A_535 = arith.mulf %abs3A_534, %mul3A_525 : vector<16xf32>
      %add3A_536 = arith.addf %add3A_472, %mul3A_535 : vector<16xf32>
      %add3A_537 = arith.addf %add3A_473, %mul3A_525 : vector<16xf32>
      %add3A_538 = arith.constant 7 : i32
      %add3A_539 = vector.broadcast %add3A_538 : i32 to vector<16xi32>
      %add3A_540 = arith.addi %add3A_88, %add3A_539 : vector<16xi32>
      %gather3A_541 = tpu.vector_load_idx %arg11[%add3A_540] : memref<4096xf32, #tpu.memory_space<vmem>>[vector<16xi32>], vector<16xf32>,
      %add3A_542 = arith.constant 7 : i32
      %add3A_543 = vector.broadcast %add3A_542 : i32 to vector<16xi32>
      %add3A_544 = arith.addi %add3A_88, %add3A_543 : vector<16xi32>
      %gather3A_545 = tpu.vector_load_idx %arg12[%add3A_544] : memref<4096xi32, #tpu.memory_space<vmem>>[vector<16xi32>], vector<16xi32>,
      %mul3A_546 = arith.constant 3 : i32
      %mul3A_547 = vector.broadcast %mul3A_546 : i32 to vector<16xi32>
      %mul3A_548 = arith.muli %gather3A_545, %mul3A_547 : vector<16xi32>
      %gather3A_549 = tpu.vector_load_idx %arg8[%mul3A_548] : memref<6144xf32, #tpu.memory_space<vmem>>[vector<16xi32>], vector<16xf32>,
      %add3A_550 = arith.constant 1 : i32
      %add3A_551 = vector.broadcast %add3A_550 : i32 to vector<16xi32>
      %add3A_552 = arith.addi %mul3A_548, %add3A_551 : vector<16xi32>
      %gather3A_553 = tpu.vector_load_idx %arg8[%add3A_552] : memref<6144xf32, #tpu.memory_space<vmem>>[vector<16xi32>], vector<16xf32>,
      %add3A_554 = arith.constant 2 : i32
      %add3A_555 = vector.broadcast %add3A_554 : i32 to vector<16xi32>
      %add3A_556 = arith.addi %mul3A_548, %add3A_555 : vector<16xi32>
      %gather3A_557 = tpu.vector_load_idx %arg8[%add3A_556] : memref<6144xf32, #tpu.memory_space<vmem>>[vector<16xi32>], vector<16xf32>,
      %gather3A_558 = tpu.vector_load_idx %arg9[%mul3A_548] : memref<6144xf32, #tpu.memory_space<vmem>>[vector<16xi32>], vector<16xf32>,
      %add3A_559 = arith.constant 1 : i32
      %add3A_560 = vector.broadcast %add3A_559 : i32 to vector<16xi32>
      %add3A_561 = arith.addi %mul3A_548, %add3A_560 : vector<16xi32>
      %gather3A_562 = tpu.vector_load_idx %arg9[%add3A_561] : memref<6144xf32, #tpu.memory_space<vmem>>[vector<16xi32>], vector<16xf32>,
      %add3A_563 = arith.constant 2 : i32
      %add3A_564 = vector.broadcast %add3A_563 : i32 to vector<16xi32>
      %add3A_565 = arith.addi %mul3A_548, %add3A_564 : vector<16xi32>
      %gather3A_566 = tpu.vector_load_idx %arg9[%add3A_565] : memref<6144xf32, #tpu.memory_space<vmem>>[vector<16xi32>], vector<16xf32>,
      %mul3A_567 = arith.mulf %gather3A_558, %gather3A_113 : vector<16xf32>
      %mul3A_568 = arith.mulf %gather3A_562, %gather3A_117 : vector<16xf32>
      %add3A_569 = arith.addf %mul3A_567, %mul3A_568 : vector<16xf32>
      %mul3A_570 = arith.mulf %gather3A_566, %gather3A_121 : vector<16xf32>
      %add3A_571 = arith.addf %add3A_569, %mul3A_570 : vector<16xf32>
      %sub3A_572 = arith.constant 1.000000e+00 : f32
      %sub3A_573 = vector.broadcast %sub3A_572 : f32 to vector<16xf32>
      %sub3A_574 = arith.subf %sub3A_573, %add3A_571 : vector<16xf32>
      %neg3A_575 = arith.constant 0.000000e+00 : f32
      %neg3A_576 = vector.broadcast %neg3A_575 : f32 to vector<16xf32>
      %neg3A_577 = arith.subf %neg3A_576, %sub3A_574 : vector<16xf32>
      %div3A_578 = arith.constant 0.0340741724 : f32
      %div3A_579 = vector.broadcast %div3A_578 : f32 to vector<16xf32>
      %div3A_580 = arith.divf %neg3A_577, %div3A_579 : vector<16xf32>
      %exp3A_581 = math.exp %div3A_580 : vector<16xf32>
      %neg3A_582 = arith.constant 0.000000e+00 : f32
      %neg3A_583 = vector.broadcast %neg3A_582 : f32 to vector<16xf32>
      %neg3A_584 = arith.subf %neg3A_583, %gather3A_541 : vector<16xf32>
      %div3A_585 = arith.constant 8.99999984E-4 : f32
      %div3A_586 = vector.broadcast %div3A_585 : f32 to vector<16xf32>
      %div3A_587 = arith.divf %neg3A_584, %div3A_586 : vector<16xf32>
      %exp3A_588 = math.exp %div3A_587 : vector<16xf32>
      %mul3A_589 = arith.mulf %exp3A_588, %exp3A_581 : vector<16xf32>
      %sub3A_590 = arith.subf %gather3A, %gather3A_549 : vector<16xf32>
      %mul3A_591 = arith.mulf %sub3A_590, %gather3A_558 : vector<16xf32>
      %sub3A_592 = arith.subf %gather3A_77, %gather3A_553 : vector<16xf32>
      %mul3A_593 = arith.mulf %sub3A_592, %gather3A_562 : vector<16xf32>
      %add3A_594 = arith.addf %mul3A_591, %mul3A_593 : vector<16xf32>
      %sub3A_595 = arith.subf %gather3A_81, %gather3A_557 : vector<16xf32>
      %mul3A_596 = arith.mulf %sub3A_595, %gather3A_566 : vector<16xf32>
      %add3A_597 = arith.addf %add3A_594, %mul3A_596 : vector<16xf32>
      %abs3A_598 = math.absf %add3A_597 : vector<16xf32>
      %mul3A_599 = arith.mulf %abs3A_598, %mul3A_589 : vector<16xf32>
      %add3A_600 = arith.addf %add3A_536, %mul3A_599 : vector<16xf32>
      %add3A_601 = arith.addf %add3A_537, %mul3A_589 : vector<16xf32>
      %div3A_602 = arith.divf %add3A_600, %add3A_601 : vector<16xf32>
      %add3A_603 = arith.addf %scan3A_66, %div3A_602 : vector<16xf32>
      scf.yield %add3A_603 : vector<16xf32>
    }
    %scan3A_61 = arith.constant 32 : i32
    %swap3A = arith.constant 0 : index
    %swap3A_62 = tpu.vector_load %arg13[%swap3A] {strides = array<i32>} : memref<16xf32, #tpu.memory_space<vmem>>, vector<16xf32>,
    tpu.vector_store %arg13[%swap3A], %scan3A_60 {strides = array<i32>} : memref<16xf32, #tpu.memory_space<vmem>>, vector<16xf32>,
    %mul3A_63 = arith.constant 16 : i32
    %mul3A_64 = arith.muli %add3A, %mul3A_63 : i32
    "tpu.region"() ({
      %run_scoped3A = tpu.sem_alloc : memref<!tpu.dma_semaphore, #tpu.memory_space<semaphore_mem>>
      %dma_start3A = tpu.memref_slice %arg7[%mul3A_64] : memref<512xf32, #tpu.memory_space<hbm>> -> memref<16xf32, #tpu.memory_space<hbm>>
      %dma_start3A_65 = tpu.memref_slice %arg7[%mul3A_64] : memref<512xf32, #tpu.memory_space<hbm>> -> memref<16xf32, #tpu.memory_space<hbm>>
      tpu.enqueue_dma source(%arg13 : memref<16xf32, #tpu.memory_space<vmem>>) target(%dma_start3A_65 : memref<16xf32, #tpu.memory_space<hbm>>) target_semaphore(%run_scoped3A : memref<!tpu.dma_semaphore, #tpu.memory_space<semaphore_mem>>)
      %dma_wait3A = tpu.memref_slice %arg7[%mul3A_64] : memref<512xf32, #tpu.memory_space<hbm>> -> memref<16xf32, #tpu.memory_space<hbm>>
      %dma_wait3A_66 = tpu.memref_slice %arg7[%mul3A_64] : memref<512xf32, #tpu.memory_space<hbm>> -> memref<16xf32, #tpu.memory_space<hbm>>
      tpu.wait_dma2 semaphore(%run_scoped3A : memref<!tpu.dma_semaphore, #tpu.memory_space<semaphore_mem>>) src(%arg13 : memref<16xf32, #tpu.memory_space<vmem>>) dst(%dma_wait3A_66 : memref<16xf32, #tpu.memory_space<hbm>>)
      tpu.yield
    }) : () -> ()
    return
  }
}

module attributes {stable_mosaic.version = 14 : i64} {
  func.func @_topk_body(%arg0: i32, %arg1: i32, %arg2: memref<1x512x3xf32, #tpu.memory_space<vmem>>, %arg3: memref<1x3x2048xf32, #tpu.memory_space<vmem>>, %arg4: memref<1x512x8xf32, #tpu.memory_space<vmem>>, %arg5: memref<1x512x8xi32, #tpu.memory_space<vmem>>) attributes {dimension_semantics = [#tpu.dimension_semantics<arbitrary>, #tpu.dimension_semantics<arbitrary>], iteration_bounds = array<i64: 8, 4>, scalar_prefetch = 0 : i64, scratch_operands = 0 : i64, tpu.core_type = #tpu.core_type<tc>, window_params = [{transform_indices = @transform_0, window_bounds = array<i64: 1, 512, 3>}, {transform_indices = @transform_1, window_bounds = array<i64: 1, 3, 2048>}, {transform_indices = @transform_2, window_bounds = array<i64: 1, 512, 8>}, {transform_indices = @transform_3, window_bounds = array<i64: 1, 512, 8>}]} {
    %get3A = arith.constant 0 : index
    %get3A_0 = arith.constant 0 : index
    %get3A_1 = arith.constant 0 : index
    %get3A_2 = vector.load %arg2[%get3A, %get3A_0, %get3A_1] : memref<1x512x3xf32, #tpu.memory_space<vmem>>, vector<1x512x3xf32>
    %get3A_3 = vector.shape_cast %get3A_2 : vector<1x512x3xf32> to vector<512x3xf32>
    %get3A_4 = arith.constant 0 : index
    %get3A_5 = arith.constant 0 : index
    %get3A_6 = arith.constant 0 : index
    %get3A_7 = vector.load %arg3[%get3A_4, %get3A_5, %get3A_6] : memref<1x3x2048xf32, #tpu.memory_space<vmem>>, vector<1x3x2048xf32>
    %get3A_8 = vector.shape_cast %get3A_7 : vector<1x3x2048xf32> to vector<3x2048xf32>
    %slice3A = vector.extract_strided_slice %get3A_3 {offsets = [0, 0], sizes = [512, 1], strides = [1, 1]} : vector<512x3xf32> to vector<512x1xf32>
    %slice3A_9 = vector.extract_strided_slice %get3A_8 {offsets = [0, 0], sizes = [1, 2048], strides = [1, 1]} : vector<3x2048xf32> to vector<1x2048xf32>
    %sub3A = vector.broadcast %slice3A : vector<512x1xf32> to vector<512x2048xf32>
    %sub3A_10 = vector.broadcast %slice3A_9 : vector<1x2048xf32> to vector<512x2048xf32>
    %sub3A_11 = arith.subf %sub3A, %sub3A_10 : vector<512x2048xf32>
    %slice3A_12 = vector.extract_strided_slice %get3A_3 {offsets = [0, 1], sizes = [512, 1], strides = [1, 1]} : vector<512x3xf32> to vector<512x1xf32>
    %slice3A_13 = vector.extract_strided_slice %get3A_8 {offsets = [1, 0], sizes = [1, 2048], strides = [1, 1]} : vector<3x2048xf32> to vector<1x2048xf32>
    %sub3A_14 = vector.broadcast %slice3A_12 : vector<512x1xf32> to vector<512x2048xf32>
    %sub3A_15 = vector.broadcast %slice3A_13 : vector<1x2048xf32> to vector<512x2048xf32>
    %sub3A_16 = arith.subf %sub3A_14, %sub3A_15 : vector<512x2048xf32>
    %slice3A_17 = vector.extract_strided_slice %get3A_3 {offsets = [0, 2], sizes = [512, 1], strides = [1, 1]} : vector<512x3xf32> to vector<512x1xf32>
    %slice3A_18 = vector.extract_strided_slice %get3A_8 {offsets = [2, 0], sizes = [1, 2048], strides = [1, 1]} : vector<3x2048xf32> to vector<1x2048xf32>
    %sub3A_19 = vector.broadcast %slice3A_17 : vector<512x1xf32> to vector<512x2048xf32>
    %sub3A_20 = vector.broadcast %slice3A_18 : vector<1x2048xf32> to vector<512x2048xf32>
    %sub3A_21 = arith.subf %sub3A_19, %sub3A_20 : vector<512x2048xf32>
    %mul3A = arith.mulf %sub3A_11, %sub3A_11 : vector<512x2048xf32>
    %mul3A_22 = arith.mulf %sub3A_16, %sub3A_16 : vector<512x2048xf32>
    %add3A = arith.addf %mul3A, %mul3A_22 : vector<512x2048xf32>
    %mul3A_23 = arith.mulf %sub3A_21, %sub3A_21 : vector<512x2048xf32>
    %add3A_24 = arith.addf %add3A, %mul3A_23 : vector<512x2048xf32>
    %iota3A = tpu.iota {dimensions = array<i32: 1>} : vector<512x2048xi32>
    %convert_element_type3A = arith.sitofp %iota3A : vector<512x2048xi32> to vector<512x2048xf32>
    %reduce_min3A = arith.constant dense<0x7F800000> : vector<512xf32>
    %reduce_min3A_25 = vector.multi_reduction <minimumf>, %add3A_24, %reduce_min3A [1] : vector<512x2048xf32> to vector<512xf32>
    %broadcast_in_dim3A = vector.shape_cast %reduce_min3A_25 : vector<512xf32> to vector<512x1xf32>
    %eq3A = vector.broadcast %broadcast_in_dim3A : vector<512x1xf32> to vector<512x2048xf32>
    %eq3A_26 = arith.cmpf oeq, %add3A_24, %eq3A : vector<512x2048xf32>
    %jit3A = arith.constant 2.048000e+03 : f32
    %broadcast_in_dim3A_27 = vector.broadcast %jit3A : f32 to vector<512x2048xf32>
    %select_n3A = arith.select %eq3A_26, %convert_element_type3A, %broadcast_in_dim3A_27 : vector<512x2048xi1>, vector<512x2048xf32>
    %reduce_min3A_28 = arith.constant dense<0x7F800000> : vector<512xf32>
    %reduce_min3A_29 = vector.multi_reduction <minimumf>, %select_n3A, %reduce_min3A_28 [1] : vector<512x2048xf32> to vector<512xf32>
    %broadcast_in_dim3A_30 = vector.shape_cast %reduce_min3A_29 : vector<512xf32> to vector<512x1xf32>
    %swap3A = arith.constant 0 : index
    %swap3A_31 = arith.constant 0 : index
    %swap3A_32 = arith.constant 0 : index
    %swap3A_33 = vector.load %arg4[%swap3A, %swap3A_31, %swap3A_32] : memref<1x512x8xf32, #tpu.memory_space<vmem>>, vector<1x512x1xf32>
    %swap3A_34 = vector.shape_cast %swap3A_33 : vector<1x512x1xf32> to vector<512x1xf32>
    %swap3A_35 = vector.shape_cast %broadcast_in_dim3A : vector<512x1xf32> to vector<1x512x1xf32>
    tpu.vector_store %arg4[%swap3A, %swap3A_31, %swap3A_32], %swap3A_35 {strides = array<i32>} : memref<1x512x8xf32, #tpu.memory_space<vmem>>, vector<1x512x1xf32>,
    %convert_element_type3A_36 = arith.fptosi %broadcast_in_dim3A_30 : vector<512x1xf32> to vector<512x1xi32>
    %swap3A_37 = arith.constant 0 : index
    %swap3A_38 = arith.constant 0 : index
    %swap3A_39 = arith.constant 0 : index
    %swap3A_40 = vector.load %arg5[%swap3A_37, %swap3A_38, %swap3A_39] : memref<1x512x8xi32, #tpu.memory_space<vmem>>, vector<1x512x1xi32>
    %swap3A_41 = vector.shape_cast %swap3A_40 : vector<1x512x1xi32> to vector<512x1xi32>
    %swap3A_42 = vector.shape_cast %convert_element_type3A_36 : vector<512x1xi32> to vector<1x512x1xi32>
    tpu.vector_store %arg5[%swap3A_37, %swap3A_38, %swap3A_39], %swap3A_42 {strides = array<i32>} : memref<1x512x8xi32, #tpu.memory_space<vmem>>, vector<1x512x1xi32>,
    %jit3A_43 = arith.constant 0x7F800000 : f32
    %broadcast_in_dim3A_44 = vector.broadcast %jit3A_43 : f32 to vector<512x2048xf32>
    %select_n3A_45 = arith.select %eq3A_26, %broadcast_in_dim3A_44, %add3A_24 : vector<512x2048xi1>, vector<512x2048xf32>
    %reduce_min3A_46 = arith.constant dense<0x7F800000> : vector<512xf32>
    %reduce_min3A_47 = vector.multi_reduction <minimumf>, %select_n3A_45, %reduce_min3A_46 [1] : vector<512x2048xf32> to vector<512xf32>
    %broadcast_in_dim3A_48 = vector.shape_cast %reduce_min3A_47 : vector<512xf32> to vector<512x1xf32>
    %eq3A_49 = vector.broadcast %broadcast_in_dim3A_48 : vector<512x1xf32> to vector<512x2048xf32>
    %eq3A_50 = arith.cmpf oeq, %select_n3A_45, %eq3A_49 : vector<512x2048xf32>
    %jit3A_51 = arith.constant 2.048000e+03 : f32
    %broadcast_in_dim3A_52 = vector.broadcast %jit3A_51 : f32 to vector<512x2048xf32>
    %select_n3A_53 = arith.select %eq3A_50, %convert_element_type3A, %broadcast_in_dim3A_52 : vector<512x2048xi1>, vector<512x2048xf32>
    %reduce_min3A_54 = arith.constant dense<0x7F800000> : vector<512xf32>
    %reduce_min3A_55 = vector.multi_reduction <minimumf>, %select_n3A_53, %reduce_min3A_54 [1] : vector<512x2048xf32> to vector<512xf32>
    %broadcast_in_dim3A_56 = vector.shape_cast %reduce_min3A_55 : vector<512xf32> to vector<512x1xf32>
    %swap3A_57 = arith.constant 0 : index
    %swap3A_58 = arith.constant 0 : index
    %swap3A_59 = arith.constant 1 : index
    %swap3A_60 = vector.load %arg4[%swap3A_57, %swap3A_58, %swap3A_59] : memref<1x512x8xf32, #tpu.memory_space<vmem>>, vector<1x512x1xf32>
    %swap3A_61 = vector.shape_cast %swap3A_60 : vector<1x512x1xf32> to vector<512x1xf32>
    %swap3A_62 = vector.shape_cast %broadcast_in_dim3A_48 : vector<512x1xf32> to vector<1x512x1xf32>
    tpu.vector_store %arg4[%swap3A_57, %swap3A_58, %swap3A_59], %swap3A_62 {strides = array<i32>} : memref<1x512x8xf32, #tpu.memory_space<vmem>>, vector<1x512x1xf32>,
    %convert_element_type3A_63 = arith.fptosi %broadcast_in_dim3A_56 : vector<512x1xf32> to vector<512x1xi32>
    %swap3A_64 = arith.constant 0 : index
    %swap3A_65 = arith.constant 0 : index
    %swap3A_66 = arith.constant 1 : index
    %swap3A_67 = vector.load %arg5[%swap3A_64, %swap3A_65, %swap3A_66] : memref<1x512x8xi32, #tpu.memory_space<vmem>>, vector<1x512x1xi32>
    %swap3A_68 = vector.shape_cast %swap3A_67 : vector<1x512x1xi32> to vector<512x1xi32>
    %swap3A_69 = vector.shape_cast %convert_element_type3A_63 : vector<512x1xi32> to vector<1x512x1xi32>
    tpu.vector_store %arg5[%swap3A_64, %swap3A_65, %swap3A_66], %swap3A_69 {strides = array<i32>} : memref<1x512x8xi32, #tpu.memory_space<vmem>>, vector<1x512x1xi32>,
    %jit3A_70 = arith.constant 0x7F800000 : f32
    %broadcast_in_dim3A_71 = vector.broadcast %jit3A_70 : f32 to vector<512x2048xf32>
    %select_n3A_72 = arith.select %eq3A_50, %broadcast_in_dim3A_71, %select_n3A_45 : vector<512x2048xi1>, vector<512x2048xf32>
    %reduce_min3A_73 = arith.constant dense<0x7F800000> : vector<512xf32>
    %reduce_min3A_74 = vector.multi_reduction <minimumf>, %select_n3A_72, %reduce_min3A_73 [1] : vector<512x2048xf32> to vector<512xf32>
    %broadcast_in_dim3A_75 = vector.shape_cast %reduce_min3A_74 : vector<512xf32> to vector<512x1xf32>
    %eq3A_76 = vector.broadcast %broadcast_in_dim3A_75 : vector<512x1xf32> to vector<512x2048xf32>
    %eq3A_77 = arith.cmpf oeq, %select_n3A_72, %eq3A_76 : vector<512x2048xf32>
    %jit3A_78 = arith.constant 2.048000e+03 : f32
    %broadcast_in_dim3A_79 = vector.broadcast %jit3A_78 : f32 to vector<512x2048xf32>
    %select_n3A_80 = arith.select %eq3A_77, %convert_element_type3A, %broadcast_in_dim3A_79 : vector<512x2048xi1>, vector<512x2048xf32>
    %reduce_min3A_81 = arith.constant dense<0x7F800000> : vector<512xf32>
    %reduce_min3A_82 = vector.multi_reduction <minimumf>, %select_n3A_80, %reduce_min3A_81 [1] : vector<512x2048xf32> to vector<512xf32>
    %broadcast_in_dim3A_83 = vector.shape_cast %reduce_min3A_82 : vector<512xf32> to vector<512x1xf32>
    %swap3A_84 = arith.constant 0 : index
    %swap3A_85 = arith.constant 0 : index
    %swap3A_86 = arith.constant 2 : index
    %swap3A_87 = vector.load %arg4[%swap3A_84, %swap3A_85, %swap3A_86] : memref<1x512x8xf32, #tpu.memory_space<vmem>>, vector<1x512x1xf32>
    %swap3A_88 = vector.shape_cast %swap3A_87 : vector<1x512x1xf32> to vector<512x1xf32>
    %swap3A_89 = vector.shape_cast %broadcast_in_dim3A_75 : vector<512x1xf32> to vector<1x512x1xf32>
    tpu.vector_store %arg4[%swap3A_84, %swap3A_85, %swap3A_86], %swap3A_89 {strides = array<i32>} : memref<1x512x8xf32, #tpu.memory_space<vmem>>, vector<1x512x1xf32>,
    %convert_element_type3A_90 = arith.fptosi %broadcast_in_dim3A_83 : vector<512x1xf32> to vector<512x1xi32>
    %swap3A_91 = arith.constant 0 : index
    %swap3A_92 = arith.constant 0 : index
    %swap3A_93 = arith.constant 2 : index
    %swap3A_94 = vector.load %arg5[%swap3A_91, %swap3A_92, %swap3A_93] : memref<1x512x8xi32, #tpu.memory_space<vmem>>, vector<1x512x1xi32>
    %swap3A_95 = vector.shape_cast %swap3A_94 : vector<1x512x1xi32> to vector<512x1xi32>
    %swap3A_96 = vector.shape_cast %convert_element_type3A_90 : vector<512x1xi32> to vector<1x512x1xi32>
    tpu.vector_store %arg5[%swap3A_91, %swap3A_92, %swap3A_93], %swap3A_96 {strides = array<i32>} : memref<1x512x8xi32, #tpu.memory_space<vmem>>, vector<1x512x1xi32>,
    %jit3A_97 = arith.constant 0x7F800000 : f32
    %broadcast_in_dim3A_98 = vector.broadcast %jit3A_97 : f32 to vector<512x2048xf32>
    %select_n3A_99 = arith.select %eq3A_77, %broadcast_in_dim3A_98, %select_n3A_72 : vector<512x2048xi1>, vector<512x2048xf32>
    %reduce_min3A_100 = arith.constant dense<0x7F800000> : vector<512xf32>
    %reduce_min3A_101 = vector.multi_reduction <minimumf>, %select_n3A_99, %reduce_min3A_100 [1] : vector<512x2048xf32> to vector<512xf32>
    %broadcast_in_dim3A_102 = vector.shape_cast %reduce_min3A_101 : vector<512xf32> to vector<512x1xf32>
    %eq3A_103 = vector.broadcast %broadcast_in_dim3A_102 : vector<512x1xf32> to vector<512x2048xf32>
    %eq3A_104 = arith.cmpf oeq, %select_n3A_99, %eq3A_103 : vector<512x2048xf32>
    %jit3A_105 = arith.constant 2.048000e+03 : f32
    %broadcast_in_dim3A_106 = vector.broadcast %jit3A_105 : f32 to vector<512x2048xf32>
    %select_n3A_107 = arith.select %eq3A_104, %convert_element_type3A, %broadcast_in_dim3A_106 : vector<512x2048xi1>, vector<512x2048xf32>
    %reduce_min3A_108 = arith.constant dense<0x7F800000> : vector<512xf32>
    %reduce_min3A_109 = vector.multi_reduction <minimumf>, %select_n3A_107, %reduce_min3A_108 [1] : vector<512x2048xf32> to vector<512xf32>
    %broadcast_in_dim3A_110 = vector.shape_cast %reduce_min3A_109 : vector<512xf32> to vector<512x1xf32>
    %swap3A_111 = arith.constant 0 : index
    %swap3A_112 = arith.constant 0 : index
    %swap3A_113 = arith.constant 3 : index
    %swap3A_114 = vector.load %arg4[%swap3A_111, %swap3A_112, %swap3A_113] : memref<1x512x8xf32, #tpu.memory_space<vmem>>, vector<1x512x1xf32>
    %swap3A_115 = vector.shape_cast %swap3A_114 : vector<1x512x1xf32> to vector<512x1xf32>
    %swap3A_116 = vector.shape_cast %broadcast_in_dim3A_102 : vector<512x1xf32> to vector<1x512x1xf32>
    tpu.vector_store %arg4[%swap3A_111, %swap3A_112, %swap3A_113], %swap3A_116 {strides = array<i32>} : memref<1x512x8xf32, #tpu.memory_space<vmem>>, vector<1x512x1xf32>,
    %convert_element_type3A_117 = arith.fptosi %broadcast_in_dim3A_110 : vector<512x1xf32> to vector<512x1xi32>
    %swap3A_118 = arith.constant 0 : index
    %swap3A_119 = arith.constant 0 : index
    %swap3A_120 = arith.constant 3 : index
    %swap3A_121 = vector.load %arg5[%swap3A_118, %swap3A_119, %swap3A_120] : memref<1x512x8xi32, #tpu.memory_space<vmem>>, vector<1x512x1xi32>
    %swap3A_122 = vector.shape_cast %swap3A_121 : vector<1x512x1xi32> to vector<512x1xi32>
    %swap3A_123 = vector.shape_cast %convert_element_type3A_117 : vector<512x1xi32> to vector<1x512x1xi32>
    tpu.vector_store %arg5[%swap3A_118, %swap3A_119, %swap3A_120], %swap3A_123 {strides = array<i32>} : memref<1x512x8xi32, #tpu.memory_space<vmem>>, vector<1x512x1xi32>,
    %jit3A_124 = arith.constant 0x7F800000 : f32
    %broadcast_in_dim3A_125 = vector.broadcast %jit3A_124 : f32 to vector<512x2048xf32>
    %select_n3A_126 = arith.select %eq3A_104, %broadcast_in_dim3A_125, %select_n3A_99 : vector<512x2048xi1>, vector<512x2048xf32>
    %reduce_min3A_127 = arith.constant dense<0x7F800000> : vector<512xf32>
    %reduce_min3A_128 = vector.multi_reduction <minimumf>, %select_n3A_126, %reduce_min3A_127 [1] : vector<512x2048xf32> to vector<512xf32>
    %broadcast_in_dim3A_129 = vector.shape_cast %reduce_min3A_128 : vector<512xf32> to vector<512x1xf32>
    %eq3A_130 = vector.broadcast %broadcast_in_dim3A_129 : vector<512x1xf32> to vector<512x2048xf32>
    %eq3A_131 = arith.cmpf oeq, %select_n3A_126, %eq3A_130 : vector<512x2048xf32>
    %jit3A_132 = arith.constant 2.048000e+03 : f32
    %broadcast_in_dim3A_133 = vector.broadcast %jit3A_132 : f32 to vector<512x2048xf32>
    %select_n3A_134 = arith.select %eq3A_131, %convert_element_type3A, %broadcast_in_dim3A_133 : vector<512x2048xi1>, vector<512x2048xf32>
    %reduce_min3A_135 = arith.constant dense<0x7F800000> : vector<512xf32>
    %reduce_min3A_136 = vector.multi_reduction <minimumf>, %select_n3A_134, %reduce_min3A_135 [1] : vector<512x2048xf32> to vector<512xf32>
    %broadcast_in_dim3A_137 = vector.shape_cast %reduce_min3A_136 : vector<512xf32> to vector<512x1xf32>
    %swap3A_138 = arith.constant 0 : index
    %swap3A_139 = arith.constant 0 : index
    %swap3A_140 = arith.constant 4 : index
    %swap3A_141 = vector.load %arg4[%swap3A_138, %swap3A_139, %swap3A_140] : memref<1x512x8xf32, #tpu.memory_space<vmem>>, vector<1x512x1xf32>
    %swap3A_142 = vector.shape_cast %swap3A_141 : vector<1x512x1xf32> to vector<512x1xf32>
    %swap3A_143 = vector.shape_cast %broadcast_in_dim3A_129 : vector<512x1xf32> to vector<1x512x1xf32>
    tpu.vector_store %arg4[%swap3A_138, %swap3A_139, %swap3A_140], %swap3A_143 {strides = array<i32>} : memref<1x512x8xf32, #tpu.memory_space<vmem>>, vector<1x512x1xf32>,
    %convert_element_type3A_144 = arith.fptosi %broadcast_in_dim3A_137 : vector<512x1xf32> to vector<512x1xi32>
    %swap3A_145 = arith.constant 0 : index
    %swap3A_146 = arith.constant 0 : index
    %swap3A_147 = arith.constant 4 : index
    %swap3A_148 = vector.load %arg5[%swap3A_145, %swap3A_146, %swap3A_147] : memref<1x512x8xi32, #tpu.memory_space<vmem>>, vector<1x512x1xi32>
    %swap3A_149 = vector.shape_cast %swap3A_148 : vector<1x512x1xi32> to vector<512x1xi32>
    %swap3A_150 = vector.shape_cast %convert_element_type3A_144 : vector<512x1xi32> to vector<1x512x1xi32>
    tpu.vector_store %arg5[%swap3A_145, %swap3A_146, %swap3A_147], %swap3A_150 {strides = array<i32>} : memref<1x512x8xi32, #tpu.memory_space<vmem>>, vector<1x512x1xi32>,
    %jit3A_151 = arith.constant 0x7F800000 : f32
    %broadcast_in_dim3A_152 = vector.broadcast %jit3A_151 : f32 to vector<512x2048xf32>
    %select_n3A_153 = arith.select %eq3A_131, %broadcast_in_dim3A_152, %select_n3A_126 : vector<512x2048xi1>, vector<512x2048xf32>
    %reduce_min3A_154 = arith.constant dense<0x7F800000> : vector<512xf32>
    %reduce_min3A_155 = vector.multi_reduction <minimumf>, %select_n3A_153, %reduce_min3A_154 [1] : vector<512x2048xf32> to vector<512xf32>
    %broadcast_in_dim3A_156 = vector.shape_cast %reduce_min3A_155 : vector<512xf32> to vector<512x1xf32>
    %eq3A_157 = vector.broadcast %broadcast_in_dim3A_156 : vector<512x1xf32> to vector<512x2048xf32>
    %eq3A_158 = arith.cmpf oeq, %select_n3A_153, %eq3A_157 : vector<512x2048xf32>
    %jit3A_159 = arith.constant 2.048000e+03 : f32
    %broadcast_in_dim3A_160 = vector.broadcast %jit3A_159 : f32 to vector<512x2048xf32>
    %select_n3A_161 = arith.select %eq3A_158, %convert_element_type3A, %broadcast_in_dim3A_160 : vector<512x2048xi1>, vector<512x2048xf32>
    %reduce_min3A_162 = arith.constant dense<0x7F800000> : vector<512xf32>
    %reduce_min3A_163 = vector.multi_reduction <minimumf>, %select_n3A_161, %reduce_min3A_162 [1] : vector<512x2048xf32> to vector<512xf32>
    %broadcast_in_dim3A_164 = vector.shape_cast %reduce_min3A_163 : vector<512xf32> to vector<512x1xf32>
    %swap3A_165 = arith.constant 0 : index
    %swap3A_166 = arith.constant 0 : index
    %swap3A_167 = arith.constant 5 : index
    %swap3A_168 = vector.load %arg4[%swap3A_165, %swap3A_166, %swap3A_167] : memref<1x512x8xf32, #tpu.memory_space<vmem>>, vector<1x512x1xf32>
    %swap3A_169 = vector.shape_cast %swap3A_168 : vector<1x512x1xf32> to vector<512x1xf32>
    %swap3A_170 = vector.shape_cast %broadcast_in_dim3A_156 : vector<512x1xf32> to vector<1x512x1xf32>
    tpu.vector_store %arg4[%swap3A_165, %swap3A_166, %swap3A_167], %swap3A_170 {strides = array<i32>} : memref<1x512x8xf32, #tpu.memory_space<vmem>>, vector<1x512x1xf32>,
    %convert_element_type3A_171 = arith.fptosi %broadcast_in_dim3A_164 : vector<512x1xf32> to vector<512x1xi32>
    %swap3A_172 = arith.constant 0 : index
    %swap3A_173 = arith.constant 0 : index
    %swap3A_174 = arith.constant 5 : index
    %swap3A_175 = vector.load %arg5[%swap3A_172, %swap3A_173, %swap3A_174] : memref<1x512x8xi32, #tpu.memory_space<vmem>>, vector<1x512x1xi32>
    %swap3A_176 = vector.shape_cast %swap3A_175 : vector<1x512x1xi32> to vector<512x1xi32>
    %swap3A_177 = vector.shape_cast %convert_element_type3A_171 : vector<512x1xi32> to vector<1x512x1xi32>
    tpu.vector_store %arg5[%swap3A_172, %swap3A_173, %swap3A_174], %swap3A_177 {strides = array<i32>} : memref<1x512x8xi32, #tpu.memory_space<vmem>>, vector<1x512x1xi32>,
    %jit3A_178 = arith.constant 0x7F800000 : f32
    %broadcast_in_dim3A_179 = vector.broadcast %jit3A_178 : f32 to vector<512x2048xf32>
    %select_n3A_180 = arith.select %eq3A_158, %broadcast_in_dim3A_179, %select_n3A_153 : vector<512x2048xi1>, vector<512x2048xf32>
    %reduce_min3A_181 = arith.constant dense<0x7F800000> : vector<512xf32>
    %reduce_min3A_182 = vector.multi_reduction <minimumf>, %select_n3A_180, %reduce_min3A_181 [1] : vector<512x2048xf32> to vector<512xf32>
    %broadcast_in_dim3A_183 = vector.shape_cast %reduce_min3A_182 : vector<512xf32> to vector<512x1xf32>
    %eq3A_184 = vector.broadcast %broadcast_in_dim3A_183 : vector<512x1xf32> to vector<512x2048xf32>
    %eq3A_185 = arith.cmpf oeq, %select_n3A_180, %eq3A_184 : vector<512x2048xf32>
    %jit3A_186 = arith.constant 2.048000e+03 : f32
    %broadcast_in_dim3A_187 = vector.broadcast %jit3A_186 : f32 to vector<512x2048xf32>
    %select_n3A_188 = arith.select %eq3A_185, %convert_element_type3A, %broadcast_in_dim3A_187 : vector<512x2048xi1>, vector<512x2048xf32>
    %reduce_min3A_189 = arith.constant dense<0x7F800000> : vector<512xf32>
    %reduce_min3A_190 = vector.multi_reduction <minimumf>, %select_n3A_188, %reduce_min3A_189 [1] : vector<512x2048xf32> to vector<512xf32>
    %broadcast_in_dim3A_191 = vector.shape_cast %reduce_min3A_190 : vector<512xf32> to vector<512x1xf32>
    %swap3A_192 = arith.constant 0 : index
    %swap3A_193 = arith.constant 0 : index
    %swap3A_194 = arith.constant 6 : index
    %swap3A_195 = vector.load %arg4[%swap3A_192, %swap3A_193, %swap3A_194] : memref<1x512x8xf32, #tpu.memory_space<vmem>>, vector<1x512x1xf32>
    %swap3A_196 = vector.shape_cast %swap3A_195 : vector<1x512x1xf32> to vector<512x1xf32>
    %swap3A_197 = vector.shape_cast %broadcast_in_dim3A_183 : vector<512x1xf32> to vector<1x512x1xf32>
    tpu.vector_store %arg4[%swap3A_192, %swap3A_193, %swap3A_194], %swap3A_197 {strides = array<i32>} : memref<1x512x8xf32, #tpu.memory_space<vmem>>, vector<1x512x1xf32>,
    %convert_element_type3A_198 = arith.fptosi %broadcast_in_dim3A_191 : vector<512x1xf32> to vector<512x1xi32>
    %swap3A_199 = arith.constant 0 : index
    %swap3A_200 = arith.constant 0 : index
    %swap3A_201 = arith.constant 6 : index
    %swap3A_202 = vector.load %arg5[%swap3A_199, %swap3A_200, %swap3A_201] : memref<1x512x8xi32, #tpu.memory_space<vmem>>, vector<1x512x1xi32>
    %swap3A_203 = vector.shape_cast %swap3A_202 : vector<1x512x1xi32> to vector<512x1xi32>
    %swap3A_204 = vector.shape_cast %convert_element_type3A_198 : vector<512x1xi32> to vector<1x512x1xi32>
    tpu.vector_store %arg5[%swap3A_199, %swap3A_200, %swap3A_201], %swap3A_204 {strides = array<i32>} : memref<1x512x8xi32, #tpu.memory_space<vmem>>, vector<1x512x1xi32>,
    %jit3A_205 = arith.constant 0x7F800000 : f32
    %broadcast_in_dim3A_206 = vector.broadcast %jit3A_205 : f32 to vector<512x2048xf32>
    %select_n3A_207 = arith.select %eq3A_185, %broadcast_in_dim3A_206, %select_n3A_180 : vector<512x2048xi1>, vector<512x2048xf32>
    %reduce_min3A_208 = arith.constant dense<0x7F800000> : vector<512xf32>
    %reduce_min3A_209 = vector.multi_reduction <minimumf>, %select_n3A_207, %reduce_min3A_208 [1] : vector<512x2048xf32> to vector<512xf32>
    %broadcast_in_dim3A_210 = vector.shape_cast %reduce_min3A_209 : vector<512xf32> to vector<512x1xf32>
    %eq3A_211 = vector.broadcast %broadcast_in_dim3A_210 : vector<512x1xf32> to vector<512x2048xf32>
    %eq3A_212 = arith.cmpf oeq, %select_n3A_207, %eq3A_211 : vector<512x2048xf32>
    %jit3A_213 = arith.constant 2.048000e+03 : f32
    %broadcast_in_dim3A_214 = vector.broadcast %jit3A_213 : f32 to vector<512x2048xf32>
    %select_n3A_215 = arith.select %eq3A_212, %convert_element_type3A, %broadcast_in_dim3A_214 : vector<512x2048xi1>, vector<512x2048xf32>
    %reduce_min3A_216 = arith.constant dense<0x7F800000> : vector<512xf32>
    %reduce_min3A_217 = vector.multi_reduction <minimumf>, %select_n3A_215, %reduce_min3A_216 [1] : vector<512x2048xf32> to vector<512xf32>
    %broadcast_in_dim3A_218 = vector.shape_cast %reduce_min3A_217 : vector<512xf32> to vector<512x1xf32>
    %swap3A_219 = arith.constant 0 : index
    %swap3A_220 = arith.constant 0 : index
    %swap3A_221 = arith.constant 7 : index
    %swap3A_222 = vector.load %arg4[%swap3A_219, %swap3A_220, %swap3A_221] : memref<1x512x8xf32, #tpu.memory_space<vmem>>, vector<1x512x1xf32>
    %swap3A_223 = vector.shape_cast %swap3A_222 : vector<1x512x1xf32> to vector<512x1xf32>
    %swap3A_224 = vector.shape_cast %broadcast_in_dim3A_210 : vector<512x1xf32> to vector<1x512x1xf32>
    tpu.vector_store %arg4[%swap3A_219, %swap3A_220, %swap3A_221], %swap3A_224 {strides = array<i32>} : memref<1x512x8xf32, #tpu.memory_space<vmem>>, vector<1x512x1xf32>,
    %convert_element_type3A_225 = arith.fptosi %broadcast_in_dim3A_218 : vector<512x1xf32> to vector<512x1xi32>
    %swap3A_226 = arith.constant 0 : index
    %swap3A_227 = arith.constant 0 : index
    %swap3A_228 = arith.constant 7 : index
    %swap3A_229 = vector.load %arg5[%swap3A_226, %swap3A_227, %swap3A_228] : memref<1x512x8xi32, #tpu.memory_space<vmem>>, vector<1x512x1xi32>
    %swap3A_230 = vector.shape_cast %swap3A_229 : vector<1x512x1xi32> to vector<512x1xi32>
    %swap3A_231 = vector.shape_cast %convert_element_type3A_225 : vector<512x1xi32> to vector<1x512x1xi32>
    tpu.vector_store %arg5[%swap3A_226, %swap3A_227, %swap3A_228], %swap3A_231 {strides = array<i32>} : memref<1x512x8xi32, #tpu.memory_space<vmem>>, vector<1x512x1xi32>,
    return
  }
  func.func @transform_0(%arg0: i32, %arg1: i32) -> (i32, i32, i32) {
    %c0_i32 = arith.constant 0 : i32
    %c0_i32_0 = arith.constant 0 : i32
    return %arg0, %arg1, %c0_i32 : i32, i32, i32
  }
  func.func @transform_1(%arg0: i32, %arg1: i32) -> (i32, i32, i32) {
    %c0_i32 = arith.constant 0 : i32
    %c0_i32_0 = arith.constant 0 : i32
    %c0_i32_1 = arith.constant 0 : i32
    return %arg0, %c0_i32, %c0_i32_0 : i32, i32, i32
  }
  func.func @transform_2(%arg0: i32, %arg1: i32) -> (i32, i32, i32) {
    %c0_i32 = arith.constant 0 : i32
    %c0_i32_0 = arith.constant 0 : i32
    return %arg0, %arg1, %c0_i32 : i32, i32, i32
  }
  func.func @transform_3(%arg0: i32, %arg1: i32) -> (i32, i32, i32) {
    %c0_i32 = arith.constant 0 : i32
    %c0_i32_0 = arith.constant 0 : i32
    return %arg0, %arg1, %c0_i32 : i32, i32, i32
  }
}

</mosaic_0001>

<sc_bundles>
// kernel: kernel.4.cloned.1.call-start
scs
__scs_entry_jumppad:
0x0: {  	(pc) =	sbr.rel $0x88, $3  }
0x1: {  	(tag) =	ssettag $0x0;
	lr =	simm.s32 $0x1  }
0x2: {  	[smem:$0x3F9E] =	sst lr;
	_ =	strace $0xD0000000  }
0x3: {  	_ = 	snop  }
0x4: {  	_ = 	snop  }
0x5: {  	_ = 	snop  }
0x6: {  	_ = 	snop  }
0x7: {  	_ = 	snop  }
__scs_overlays_trampoline_lowered:
0x8: {  	[smem:$0x3FAD] =	sst s0  }
0x9: {  	[smem:$0x3FAE] =	sst s1  }
0xa: {  	[smem:$0x3FAF] =	sst s2  }
0xb: {  	[smem:$0x3FB0] =	sst s3  }
0xc: {  	[smem:$0x3FB1] =	sst s4  }
0xd: {  	[smem:$0x3FB2] =	sst s5  }
0xe: {  	[smem:$0x3FB3] =	sst s6  }
0xf: {  	[smem:$0x3FB4] =	sst s7  }
0x10: {  	[smem:$0x3FB5] =	sst s8  }
0x11: {  	[smem:$0x3FB6] =	sst s9;
	s0 =	simm.s32 @!p0 $0x0  }
0x12: {  	s1 =	sld [smem:$0x3F9C];
	s0 =	simm.s32 @p0 $0x1  }
0x13: {  	[smem:$0x3FB7] =	sst s0;
	s0 =	simm.s32 @!p1 $0x0  }
0x14: {  	s2 =	sld [smem:$0x3F9B];
	s0 =	simm.s32 @p1 $0x1  }
0x15: {  	[smem:$0x3FB8] =	sst s0;
	s0 =	simm.s32 @!p2 $0x0  }
0x16: {  	s3 =	sld [smem:$0x3FDB];
	s0 =	simm.s32 @p2 $0x1  }
0x17: {  	s4 =	simm.s32 $0x1BF5;
	[smem:$0x3FBA] =	sst s0  }
0x18: {  	s0 =	sld [smem:$0x3F9D];
	_ =	swait.ge [sflag:s4], $0x0  }
0x19: {  	s7 =	sld [smem:$0x3F9E]  }
0x1a: {  	s8 =	sadd.s32 $0xFFFFE003, lr  }
0x1b: {  	s9 =	sadd.s32 $0xFFFFFEF7, lr;
	s5 =	simm.s32 $0xFFFFFFFF;
	p2 =	slt.u32 s8, $0xFFFFF086  }
0x1c: {  	p1 =	slt.u32 s9, $0xF7A;
	s5 =	simm.s32 @!p2 $0x0  }
0x1d: {  	s5 =	simm.s32 @p1 $0x1;
	p0 =	seq.s32 s7, s2  }
0x1e: {  	s7 =	smul.u32 @!p0 $0xF7A, s2;
	p2 =	seq.s32 @!p0 s5, $0x0  }
0x1f: {  	s9 =	smul.u32 $0xF7A, s1;
	s8 =	simm.s32 @!p0 $0x1BF5;
	p2 =	por !p2, p0  }
0x20: {  	[sflag:s8] =	ssyncset.s32 @!p0 $0xFFFFF086;
	s6 =	sadd.s32 @!p0 s3, s7;
	s7 =	simm.s32 @!p0 $0x108  }
0x21: {  	s3 =	sadd.s32 s3, s9;
	s6 =	sadd.s32 @!p0 $0x88, s6;
	s7 =	simm.s32 @p2 $0x1082  }
0x22: {  	[simem:s7], [sflag:s8] =	dma.local @!p0 [hbm:s6], $0xF7A  }
0x23: {  	s9 =	sor.u32 $0xD0000000, s2;
	s6 =	simm.s32 $0x108;
	_ =	swait.ge @!p0 [sflag:s8], $0x0  }
0x24: {  	s3 =	sadd.s32 $0x88, s3;
	s6 =	simm.s32 @!p1 $0x1082;
	[sflag:s4] =	ssyncset.s32 $0xFFFFF086  }
0x25: {  	[simem:s6], [sflag:s4] =	dma.local [hbm:s3], $0xF7A  }
0x26: {  	[smem:$0x3F9E] =	sst s1;
	(tag) =	ssettag s2;
	_ =	strace s9  }
0x27: {  	s1 =	sld [smem:$0x3FAE]  }
0x28: {  	s2 =	sld [smem:$0x3FAF]  }
0x29: {  	s4 =	sld [smem:$0x3FB1]  }
0x2a: {  	p0 =	seq.s32 s5, $0x0;
	s5 =	sld [smem:$0x3FB2]  }
0x2b: {  	s6 =	sld [smem:$0x3FB3]  }
0x2c: {  	s7 =	sld [smem:$0x3FB4]  }
0x2d: {  	s3 =	simm.s32 $0x108;
	s8 =	sld [smem:$0x3FB5]  }
0x2e: {  	s3 =	simm.s32 @!p0 $0x1082;
	s9 =	sld [smem:$0x3FB6]  }
0x2f: {  	lr =	sadd.s32 s0, s3;
	s0 =	sld [smem:$0x3FAD]  }
0x30: {  	s3 =	sld [smem:$0x3FB0]  }
0x31: {  	[smem:$0x3FB9] =	sst s10  }
0x32: {  	s10 =	sld [smem:$0x3FB7];
	_ =	sdelay $0x3  }
0x33: {  	p0 =	seq.s32 s10, $0x1;
	s10 =	sld [smem:$0x3FB9];
	_ =	sdelay $0x3  }
0x34: {  	[smem:$0x3FB9] =	sst s10  }
0x35: {  	s10 =	sld [smem:$0x3FB8];
	_ =	sdelay $0x3  }
0x36: {  	p1 =	seq.s32 s10, $0x1;
	s10 =	sld [smem:$0x3FB9];
	_ =	sdelay $0x3  }
0x37: {  	[smem:$0x3FB9] =	sst s10  }
0x38: {  	s10 =	sld [smem:$0x3FBA]  }
0x39: {  	_ = 	snop;
	(pc) =	sbr.ind lr, $3  }
0x3a: {  	_ = 	snop  }
0x3b: {  	_ = 	snop  }
0x3c: {  	p2 =	seq.s32 s10, $0x1;
	s10 =	sld [smem:$0x3FB9]  }
0x3d: {  	_ =	shalt  }
0x3e: {  	_ =	shalt  }
0x3f: {  	_ =	shalt  }
0x40: {  	_ =	shalt  }
0x41: {  	_ =	shalt  }
0x42: {  	_ =	shalt  }
0x43: {  	_ =	shalt  }
0x44: {  	_ =	shalt  }
0x45: {  	_ =	shalt  }
0x46: {  	_ =	shalt  }
0x47: {  	_ =	shalt  }
0x48: {  	_ =	shalt  }
0x49: {  	_ =	shalt  }
0x4a: {  	_ =	shalt  }
0x4b: {  	_ =	shalt  }
0x4c: {  	_ =	shalt  }
0x4d: {  	_ =	shalt  }
0x4e: {  	_ =	shalt  }
0x4f: {  	_ =	shalt  }
0x50: {  	_ =	shalt  }
0x51: {  	_ =	shalt  }
0x52: {  	_ =	shalt  }
0x53: {  	_ =	shalt  }
0x54: {  	_ =	shalt  }
0x55: {  	_ =	shalt  }
0x56: {  	_ =	shalt  }
0x57: {  	_ =	shalt  }
0x58: {  	_ =	shalt  }
0x59: {  	_ =	shalt  }
0x5a: {  	_ =	shalt  }
0x5b: {  	_ =	shalt  }
0x5c: {  	_ =	shalt  }
0x5d: {  	_ =	shalt  }
0x5e: {  	_ =	shalt  }
0x5f: {  	_ =	shalt  }
0x60: {  	_ =	shalt  }
0x61: {  	_ =	shalt  }
0x62: {  	_ =	shalt  }
0x63: {  	_ =	shalt  }
0x64: {  	_ =	shalt  }
0x65: {  	_ =	shalt  }
0x66: {  	_ =	shalt  }
0x67: {  	_ =	shalt  }
0x68: {  	_ =	shalt  }
0x69: {  	_ =	shalt  }
0x6a: {  	_ =	shalt  }
0x6b: {  	_ =	shalt  }
0x6c: {  	_ =	shalt  }
0x6d: {  	_ =	shalt  }
0x6e: {  	_ =	shalt  }
0x6f: {  	_ =	shalt  }
0x70: {  	_ =	shalt  }
0x71: {  	_ =	shalt  }
0x72: {  	_ =	shalt  }
0x73: {  	_ =	shalt  }
0x74: {  	_ =	shalt  }
0x75: {  	_ =	shalt  }
0x76: {  	_ =	shalt  }
0x77: {  	_ =	shalt  }
0x78: {  	_ =	shalt  }
0x79: {  	_ =	shalt  }
0x7a: {  	_ =	shalt  }
0x7b: {  	_ =	shalt  }
0x7c: {  	_ =	shalt  }
0x7d: {  	_ =	shalt  }
0x7e: {  	_ =	shalt  }
0x7f: {  	_ =	shalt  }
0x80: {  	_ =	shalt  }
0x81: {  	_ =	shalt  }
0x82: {  	_ =	shalt  }
0x83: {  	_ =	shalt  }
0x84: {  	_ =	shalt  }
0x85: {  	_ =	shalt  }
0x86: {  	_ =	shalt  }
0x87: {  	_ =	shalt  }
.Lfunc_end0:
.L_simem_size_0:
called_computation_lowered:
.L_overlay_start_0:
0x88: {  	s2 =	sld [smem:$0x3FD9]  }
0x89: {  	s3 =	sld [smem:$0x3FFE];
	_ =	sdelay $0x1  }
0x8a: {  	s1 =	srdreg.scid  }
0x8b: {  	s0 =	sand.u32 $0x1, s1  }
0x8c: {  	s16 =	sshll.u32 s0, $0xA;
	s2 =	sadd.s32 s3, s2  }
0x8d: {  	s2 =	sadd.s32 s2, s16  }
0x8e: {  	[smem:$0x3FC5] =	sst s2  }
0x8f: {  	_ = 	snop  }
0x90: {  	(tm) =	ssettm $0x1  }
0x91: {  	s17 =	sld [smem:$0x3FFB];
	_ =	sdelay $0x3  }
0x92: {  	_ =	strace s17  }
0x93: {  	s2 =	sld [smem:$0x3FFC];
	_ =	sdelay $0x3  }
0x94: {  	_ =	strace s2  }
0x95: {  	s2 =	sld [smem:$0x3FFD];
	_ =	sdelay $0x3  }
0x96: {  	_ =	strace s2  }
0x97: {  	_ =	strace $0x8FFFFFFF  }
0x98: {  	s18 =	sld [smem:$0x3FDB];
	_ =	sdelay $0x1  }
0x99: {  	s19 =	simm.s32 $_scs_section_size  }
0x9a: {  	s4 =	simm.s32 $_size__tile_overlayer_lowered;
	s5 =	simm.s32 $_tile_overlayer_lowered  }
0x9b: {  	s22 =	simm.s32 $0x1BFF;
	s21 =	sshll.u32 s5, $0x1;
	s2 =	sadd.s32 s19, s18  }
0x9c: {  	s6 =	simm.s32 $0x0;
	s20 =	sshll.u32 s4, $0x1;
	s4 =	sadd.s32 s21, s2  }
0x9d: {  	[timem:s6], [sflag:s22] =	dma.local [hbm:s4], s20  }
0x9e: {  	_ =	swait.ge [sflag:s22], s20  }
0x9f: {  	s3 =	ssub.s32 $0x0, s20;
	[sflag:s22] =	ssyncset.done $0x0  }
0xa0: {  	[sflag:s22] =	ssyncadd.s32 s3;
	_ =	sdelay $0x1  }
0xa1: {  	s23 =	simm.s32 $0x1B8B  }
0xa2: {  	_ =	swait.ge [sflag:s23], $0x1  }
0xa3: {  	[sflag:s23] =	ssyncset.done $0x0  }
0xa4: {  	s25 =	simm.s32 $0x1B8E;
	s24 =	sld [smem:$0x3FFE];
	[sflag:s23] =	ssyncadd.s32 $0xFFFFFFFF  }
0xa5: {  	s26 =	simm.s32 $execute0_lowered;
	[smem:$0x3FD2] =	sst s25  }
0xa6: {  	s4 =	sshll.u32 s26, $0x1;
	_ =	strace $0x80000046;
	[dreg:$0x1] =	wrdreg $0xFFFFFFFF  }
0xa7: {  	s28 =	simm.s32 $_size_execute0_lowered;
	s2 =	sadd.s32 s2, s4;
	[dreg:$0x0] =	wrdreg $0x0  }
0xa8: {  	s4 =	sshll.u32 s28, $0x1;
	[dreg:$0x2] =	wrdreg s2  }
0xa9: {  	[dreg:$0x3] =	wrdreg s4  }
0xaa: {  	[dreg:$0x4] =	wrdreg $0xC0  }
0xab: {  	_ =	task [dreg:s6], $0x5FFFF  }
0xac: {  	[dreg:$0x1] =	wrdreg $0xFFFFFFFF  }
0xad: {  	[dreg:$0x0] =	wrdreg $0x60  }
0xae: {  	[dreg:$0x2] =	wrdreg s24  }
0xaf: {  	[dreg:$0x3] =	wrdreg $0x9  }
0xb0: {  	_ =	task.clear_ibuf [dreg:s6], $0x4FFFF;
	_ =	strace $0x90000046  }
0xb1: {  	s29 =	simm.s32 $0x9;
	_ =	strace $0x80000048  }
0xb2: {  	_ =	swait.ge [sflag:s29], $0x1  }
0xb3: {  	[sflag:s29] =	ssyncadd.s32 $0xFFFFFFFF  }
0xb4: {  	_ =	strace $0x90000048  }
0xb5: {  	_ =	sfence  }
0xb6: {  	s30 =	sld [smem:$0x0];
	_ =	sdelay $0x2  }
0xb7: {  	s31 =	sshll.u32 s1, $0xD;
	s1 =	sshrl.u32 s1, $0x2  }
0xb8: {  	s3 =	sand.u32 $0x4000, s31;
	s1 =	sadd.s32 s1, s30  }
0xb9: {  	s0 =	sor.u32 s3, s0;
	s1 =	sshll.u32 s1, $0x11  }
0xba: {  	s0 =	sor.u32 s1, s0  }
0xbb: {  	s0 =	sadd.s32 $0x8F2B, s0  }
0xbc: {  	[sflag:s0] =	ssyncadd.remote.s32 $0x1  }
0xbd: {  	_ =	sfence.sel $0xFFFF  }
0xbe: {  	[dreg:$0x0] =	wrdreg $0xFFFFFFFF;
	(pc) =	sbr.abs _section_cstart, $3  }
0xbf: {  	[dreg:$0x1] =	wrdreg $0xFFFFFFFF  }
0xc0: {  	_ =	task.clear_ibuf [dreg:s6], $0x2FFFF;
	_ =	strace $0x9FFFFFFF  }
0xc1: {  	(tm) =	ssettm $0x7FFFFFFF  }
tec
execute0_lowered:
.L_overlay_start_1:
0x0: {  	(tag) =	ssettag $0x1  }
0x1: {  	s3 =	rddreg [dreg:$0x0];
	s2 =	simm.s32 $0x0;
	v1 =	vlaneseq.u32  }
0x2: {  	s1 =	srdreg.scid;
	[smem:$0x7FF] =	sst s2;
	v59 =	vmul.u32 $0x3, v1  }
0x3: {  	v0 =	vimm.f32 $3.407417240e-02;
	s4 =	sand.u32 $0x1, s1;
	s1 =	rddreg [dreg:$0x1];
	v60 =	vmul.u32 $0x8, v1;
	_ =	strace $0x80000047  }
0x4: {  	(erf) = vrcp.f32 v0;
	v0 =	vimm.f32 $8.999999840e-04;
	[tilespmem:$0x1FF40] =	vst v59  }
0x5: {  	s0 =	stileid.u32;
	v61 =	vadd.s32 $0x1, v59;
	[tilespmem:$0x1FF50] =	vst v60;
	(erf) = vrcp.f32 v0  }
0x6: {  	s11 =	simm.s32 $0x1800;
	s5 =	sshll.u32 s0, $0x1;
	v62 =	vadd.s32 $0x2, v59;
	[tilespmem:$0x1FF60] =	vst v61  }
0x7: {  	s12 =	simm.s32 $0x3000;
	s13 =	simm.s32 $0x3600;
	s5 =	sor.u32 s4, s5;
	v63 =	vor.u32 $0x1, v60;
	[tilespmem:$0x1FF70] =	vst v62  }
0x8: {  	s14 =	simm.s32 $0x4600;
	s6 =	sshrl.u32 s0, $0x1;
	s7 =	sshll.u32 s5, $0x9;
	v6 =	vor.u32 $0x7, v60;
	[tilespmem:$0x1FF80] =	vst v63  }
0x9: {  	s15 =	simm.s32 $0x5600;
	s8 =	sshll.u32 s6, $0xB;
	v5 =	vor.u32 $0x6, v60;
	s7 =	sand.u32 $0x600, s7;
	[tilespmem:$0x1FFC0] =	vst v6  }
0xa: {  	s16 =	simm.s32 $0x0;
	s6 =	smul.u32 $0x300, s6;
	v2 =	vor.u32 $0x2, v60;
	[tilespmem:$0x1FFD0] =	vst v5;
	s7 =	sor.u32 s8, s7  }
0xb: {  	s4 =	ssub.s32 $0x2, s4;
	s5 =	sshll.u32 s5, $0x1;
	v3 =	vor.u32 $0x4, v60;
	[tilespmem:$0x1FFE0] =	vst v2;
	s8 =	smul.u32 $0x3, s7  }
0xc: {  	s31 =	sshrl.u32 s4, $0x1;
	s6 =	sadd.s32 s6, s3;
	s9 =	sadd.s32 s5, s3;
	v0 =	vor.u32 $0x3, v60;
	[tilespmem:$0x1FFF0] =	vst v3  }
0xd: {  	s10 =	ssub.s32 s4, s31;
	s4 =	sadd.s32 $0x49000, s6;
	[tilespmem:$0x1FF90] =	vst v0;
	s8 =	sshrl.u32 s8, $0x3;
	v1 =	vpop (erf)  }
0xe: {  	s7 =	sadd.s32 s7, s3;
	s8 =	sadd.s32 s8, s3;
	s3 =	sadd.s32 $0x4A800, s6;
	v4 =	vpop (erf);
	[tilespmem:$0x1FFA0] =	vst v1  }
0xf: {  	s6 =	sadd.s32 $0x41000, s7;
	s7 =	sadd.s32 $0x45000, s7;
	s5 =	sadd.s32 $0x81000, s8;
	[tilespmem:$0x1FF30] =	vst v4;
	v4 =	vor.u32 $0x5, v60  }
0x10: {  	s8 =	sadd.s32 $0x4C000, s9;
	s9 =	smax.u32 s10, $0x1;
	s10 =	simm.s32 $0x1;
	[tilespmem:$0x1FFB0] =	vst v4  }
.LBB2_1:
0x11: {  	[tilespmem:s2], [sflag:$0x1] =	stream.linear.gather [hbm4b:s3+s2], $0x1800, $0x38;
	[tilespmem:$0x5680] =	vst v63  }
0x12: {  	_ =	swait.ge [sflag:s10], $0x1800  }
0x13: {  	[sflag:s10] =	ssyncset.done $0x0  }
0x14: {  	[sflag:s10] =	ssyncadd.s32 $0xFFFFE800  }
0x15: {  	[tilespmem:s11], [sflag:$0x1] =	stream.linear.gather [hbm4b:s4+s2], $0x1800, $0x38;
	[tilespmem:$0x5680] =	vst v63  }
0x16: {  	_ =	swait.ge [sflag:s10], $0x1800  }
0x17: {  	[sflag:s10] =	ssyncset.done $0x0  }
0x18: {  	[sflag:s10] =	ssyncadd.s32 $0xFFFFE800  }
0x19: {  	[tilespmem:s12], [sflag:$0x1] =	stream.linear.gather [hbm4b:s5+s2], $0x600, $0x38;
	[tilespmem:$0x5680] =	vst v63  }
0x1a: {  	_ =	swait.ge [sflag:s10], $0x600  }
0x1b: {  	[sflag:s10] =	ssyncset.done $0x0  }
0x1c: {  	[sflag:s10] =	ssyncadd.s32 $0xFFFFFA00  }
0x1d: {  	[tilespmem:s13], [sflag:$0x1] =	stream.linear.gather [hbm4b:s6+s2], $0x1000, $0x38;
	[tilespmem:$0x5680] =	vst v63  }
0x1e: {  	_ =	swait.ge [sflag:s10], $0x1000  }
0x1f: {  	[sflag:s10] =	ssyncset.done $0x0  }
0x20: {  	v13 =	vadd.s32 s2, v62;
	[sflag:s10] =	ssyncadd.s32 $0xFFFFF000  }
0x21: {  	v14 =	vadd.s32 s2, v59;
	[tilespmem:s14], [sflag:$0x1] =	stream.linear.gather [hbm4b:s7+s2], $0x1000, $0x38;
	[tilespmem:$0x5680] =	vst v63  }
0x22: {  	v17 =	vadd.s32 s2, v61;
	_ =	swait.ge [sflag:s10], $0x1000  }
0x23: {  	v18 =	vor.u32 s2, v6;
	[sflag:s10] =	ssyncset.done $0x0  }
0x24: {  	v19 =	vor.u32 s2, v5;
	[sflag:s10] =	ssyncadd.s32 $0xFFFFF000  }
0x25: {  	v20 =	vor.u32 s2, v3;
	v15 =	vld.idx.msk [tilespmem:v13+s12+$0x0], $0xffff  }
0x26: {  	v16 =	vld.idx.msk [tilespmem:v14+s12+$0x0], $0xffff  }
0x27: {  	v34 =	vld.idx.msk [tilespmem:v17+s12+$0x0], $0xffff  }
0x28: {  	v17 =	vld.idx.msk [tilespmem:v18+s13+$0x0], $0xffff  }
0x29: {  	v21 =	vor.u32 s2, v0;
	v22 =	vld.idx.msk [tilespmem:v19+s13+$0x0], $0xffff  }
0x2a: {  	v23 =	vor.u32 s2, v2;
	v0 =	vld.idx.msk [tilespmem:v20+s13+$0x0], $0xffff  }
0x2b: {  	v25 =	vor.u32 s2, v63;
	v18 =	vld.idx.msk [tilespmem:v18+s14+$0x0], $0xffff  }
0x2c: {  	v19 =	vld.idx.msk [tilespmem:v19+s14+$0x0], $0xffff  }
0x2d: {  	v20 =	vld.idx.msk [tilespmem:v20+s14+$0x0], $0xffff  }
0x2e: {  	v28 =	vld.idx.msk [tilespmem:v21+s14+$0x0], $0xffff  }
0x2f: {  	v13 =	vor.u32 s2, v4;
	v29 =	vld.idx.msk [tilespmem:v23+s14+$0x0], $0xffff  }
0x30: {  	v30 =	vld.idx.msk [tilespmem:v25+s14+$0x0], $0xffff  }
0x31: {  	v26 =	vor.u32 s2, v60;
	v49 =	vld.idx.msk [tilespmem:v21+s13+$0x0], $0xffff  }
0x32: {  	v50 =	vld.idx.msk [tilespmem:v23+s13+$0x0], $0xffff  }
0x33: {  	v51 =	vld.idx.msk [tilespmem:v25+s13+$0x0], $0xffff;
	v40 =	vmul.u32 $0x3, v18  }
0x34: {  	v24 =	vld.idx.msk [tilespmem:v13+s13+$0x0], $0xffff;
	v47 =	vmul.u32 $0x3, v19  }
0x35: {  	v13 =	vld.idx.msk [tilespmem:v13+s14+$0x0], $0xffff;
	v46 =	vmul.u32 $0x3, v20  }
0x36: {  	v18 =	vld.idx.msk [tilespmem:v26+s14+$0x0], $0xffff;
	v39 =	vmul.u32 $0x3, v28  }
0x37: {  	v28 =	vld.idx.msk [tilespmem:v26+s13+$0x0], $0xffff;
	v41 =	vmul.u32 $0x3, v29;
	v62 =	vsub.f32 $0.0e+00, v0;
	v0 =	vimm.f32 $0.0e+00  }
0x38: {  	v42 =	vmul.u32 $0x3, v30;
	[tilespmem:$0x1FF20] =	vst v0;
	v0 =	vld [tilespmem:$0x1FF30]  }
0x39: {  	v25 =	vld.idx.msk [tilespmem:v40+s2+$0x0], $0xffff  }
0x3a: {  	v20 =	vld.idx.msk [tilespmem:v47+s2+$0x0], $0xffff  }
0x3b: {  	v4 =	vld.idx.msk [tilespmem:v46+s2+$0x0], $0xffff  }
0x3c: {  	v9 =	vld.idx.msk [tilespmem:v39+s2+$0x0], $0xffff  }
0x3d: {  	v6 =	vld.idx.msk [tilespmem:v41+s2+$0x0], $0xffff  }
0x3e: {  	v2 =	vld.idx.msk [tilespmem:v42+s2+$0x0], $0xffff  }
0x3f: {  	v26 =	vld.idx.msk [tilespmem:v40+s11+$0x0], $0xffff  }
0x40: {  	v57 =	vadd.s32 $0x2, v40;
	v30 =	vld.idx.msk [tilespmem:v47+s11+$0x0], $0xffff  }
0x41: {  	v36 =	vadd.s32 $0x2, v47;
	v31 =	vld.idx.msk [tilespmem:v46+s11+$0x0], $0xffff  }
0x42: {  	v43 =	vadd.s32 $0x1, v40;
	v32 =	vld.idx.msk [tilespmem:v39+s11+$0x0], $0xffff  }
0x43: {  	v44 =	vmul.u32 $0x3, v13;
	v33 =	vld.idx.msk [tilespmem:v41+s11+$0x0], $0xffff  }
0x44: {  	v48 =	vmul.u32 $0x3, v18;
	v37 =	vld.idx.msk [tilespmem:v42+s11+$0x0], $0xffff  }
0x45: {  	v14 =	vld.idx.msk [tilespmem:v57+s2+$0x0], $0xffff  }
0x46: {  	v38 =	vld.idx.msk [tilespmem:v36+s2+$0x0], $0xffff  }
0x47: {  	v1 =	vld.idx.msk [tilespmem:v43+s2+$0x0], $0xffff  }
0x48: {  	v17 =	vsub.f32 $0.0e+00, v17;
	v52 =	vsub.f32 $0.0e+00, v22;
	v45 =	vadd.s32 $0x2, v44;
	v35 =	vld.idx.msk [tilespmem:v57+s11+$0x0], $0xffff  }
0x49: {  	v58 =	vsub.f32 $0.0e+00, v49;
	v53 =	vsub.f32 $0.0e+00, v51;
	v19 =	vld.idx.msk [tilespmem:v44+s2+$0x0], $0xffff  }
0x4a: {  	v63 =	vsub.f32 $0.0e+00, v50;
	v61 =	vsub.f32 $0.0e+00, v24;
	v5 =	vld.idx.msk [tilespmem:v48+s2+$0x0], $0xffff  }
0x4b: {  	v54 =	vsub.f32 $0.0e+00, v28;
	v52 =	vmul.f32 v52, v0;
	v56 =	vmul.f32 v17, v0;
	v29 =	vld.idx.msk [tilespmem:v44+s11+$0x0], $0xffff  }
0x4c: {  	v50 =	vmul.f32 v62, v0;
	v40 =	vadd.s32 $0x1, v47;
	v49 =	vmul.f32 v63, v0;
	v21 =	vld.idx.msk [tilespmem:v48+s11+$0x0], $0xffff  }
0x4d: {  	s17 =	simm.s32 $0x30;
	s18 =	simm.s32 $0x0;
	v51 =	vmul.f32 v58, v0;
	v47 =	vadd.s32 $0x2, v46;
	v55 =	vmul.f32 v61, v0;
	v27 =	vld.idx.msk [tilespmem:v45+s2+$0x0], $0xffff  }
.LBB2_2:
0x4e: {  	v0 =	vld [tilespmem:$0x1FF30];
	_ =	sdelay $0x1  }
0x4f: {  	v3 =	vadd.s32 $0x2, v48  }
0x50: {  	v58 =	vadd.s32 $0x1, v44;
	v60 =	vld.idx.msk [tilespmem:v45+s11+$0x0], $0xffff;
	v52 =	vmul.f32 $1.442695020e+00, v52;
	v45 =	vmul.f32 $1.442695020e+00, v55  }
0x51: {  	v59 =	vld.idx.msk [tilespmem:v43+s11+$0x0], $0xffff;
	v43 =	vmul.f32 $1.442695020e+00, v50;
	v50 =	vadd.s32 $0x1, v39;
	v12 =	vmul.f32 v26, v21  }
0x52: {  	v25 =	vsub.f32 v16, v25;
	v57 =	vmul.f32 v53, v0;
	v53 =	vld.idx.msk [tilespmem:v36+s11+$0x0], $0xffff;
	v36 =	vmul.f32 $1.442695020e+00, v56  }
0x53: {  	v11 =	vmul.f32 v29, v21;
	v10 =	vmul.f32 v30, v21;
	v8 =	vsub.f32 v16, v20  }
0x54: {  	v7 =	vsub.f32 v16, v19;
	v13 =	vsub.f32 v16, v9;
	(erf) = vpow2.f32 v36;
	v36 =	vld.idx.msk [tilespmem:v3+s11+$0x0], $0xffff  }
0x55: {  	v44 =	vmul.f32 v32, v21;
	v24 =	vsub.f32 v16, v2;
	v1 =	vsub.f32 v34, v1  }
0x56: {  	v62 =	vld.idx.msk [tilespmem:v47+s11+$0x0], $0xffff;
	v54 =	vmul.f32 v54, v0;
	v0 =	vadd.s32 $0x1, v48;
	v48 =	vmul.f32 $1.442695020e+00, v51  }
0x57: {  	v55 =	vld.idx.msk [tilespmem:v40+s11+$0x0], $0xffff;
	v56 =	vadd.s32 $0x2, v39;
	[tilespmem:$0x1FE00] =	vst v10;
	v10 =	vmul.f32 v37, v21;
	(erf) = vpow2.f32 v52  }
0x58: {  	[tilespmem:$0x1FE40] =	vst v3;
	v40 =	vld.idx.msk [tilespmem:v40+s2+$0x0], $0xffff;
	v2 =	vmovc v37;
	(erf) = vpow2.f32 v45;
	v45 =	vmul.f32 $1.442695020e+00, v49;
	v49 =	vadd.s32 $0x1, v41  }
0x59: {  	v51 =	vadd.s32 $0x2, v41;
	[tilespmem:$0x1FE10] =	vst v12;
	v12 =	vmul.f32 v21, v21;
	v37 =	vld.idx.msk [tilespmem:v58+s2+$0x0], $0xffff;
	v9 =	vmul.f32 v35, v36  }
0x5a: {  	v63 =	vld.idx.msk [tilespmem:v58+s11+$0x0], $0xffff;
	[tilespmem:$0x1FDF0] =	vst v11;
	v11 =	vsub.f32 v16, v4;
	v54 =	vmul.f32 $1.442695020e+00, v54;
	(erf) = vpow2.f32 v43  }
0x5b: {  	v3 =	vld.idx.msk [tilespmem:v50+s11+$0x0], $0xffff;
	v43 =	vmul.f32 $1.442695020e+00, v57;
	[tilespmem:$0x1FE60] =	vst v9;
	v9 =	vsub.f32 v16, v6;
	v16 =	vsub.f32 v16, v5  }
0x5c: {  	v39 =	vld.idx.msk [tilespmem:v0+s11+$0x0], $0xffff;
	(erf) = vpow2.f32 v48;
	v5 =	vsub.f32 v15, v14;
	v14 =	vsub.f32 v15, v27  }
0x5d: {  	v4 =	vld.idx.msk [tilespmem:v49+s11+$0x0], $0xffff;
	v27 =	vsub.f32 v34, v40;
	v40 =	vmul.f32 v26, v25;
	v26 =	vmul.f32 v32, v13  }
0x5e: {  	v13 =	vsub.f32 v34, v37;
	v37 =	vmul.f32 v33, v9;
	v9 =	vmul.f32 v59, v1;
	v1 =	vld [tilespmem:$0x1FDF0]  }
0x5f: {  	v17 =	vadd.s32 $0x1, v42;
	v47 =	vld.idx.msk [tilespmem:v47+s2+$0x0], $0xffff;
	v52 =	vmul.f32 v31, v21;
	(erf) = vpow2.f32 v45  }
0x60: {  	v61 =	vadd.s32 $0x1, v46;
	v41 =	vmul.f32 v33, v21;
	v46 =	vld.idx.msk [tilespmem:v51+s11+$0x0], $0xffff;
	(erf) = vpow2.f32 v43  }
0x61: {  	v48 =	vadd.s32 $0x2, v42;
	v6 =	vmul.f32 v59, v39;
	v28 =	vmul.f32 v63, v39  }
0x62: {  	[tilespmem:$0x1FE90] =	vst v3;
	v18 =	vmul.f32 v3, v39;
	v3 =	vsub.f32 v15, v38;
	v16 =	vmul.f32 v21, v16  }
0x63: {  	v21 =	vmul.f32 v60, v14;
	v38 =	vmul.f32 v4, v39;
	v14 =	vadd.f32 v28, v1;
	v1 =	vld [tilespmem:$0x1FE00]  }
0x64: {  	(erf) = vpow2.f32 v54;
	v54 =	vld.idx.msk [tilespmem:v17+s11+$0x0], $0xffff;
	v25 =	vsub.f32 v15, v47  }
0x65: {  	v47 =	vmul.f32 v30, v8;
	[tilespmem:$0x1FE20] =	vst v6;
	v6 =	vmul.f32 v46, v36;
	v8 =	vadd.f32 v38, v41  }
0x66: {  	v43 =	vmul.f32 v55, v39;
	v19 =	vld.idx.msk [tilespmem:v48+s11+$0x0], $0xffff  }
0x67: {  	[tilespmem:$0x1FE70] =	vst v17;
	v32 =	vmul.f32 v2, v24;
	v2 =	vmul.f32 v53, v3;
	v3 =	vld [tilespmem:$0x1FE20];
	v6 =	vadd.f32 v6, v8  }
0x68: {  	[tilespmem:$0x1FE50] =	vst v0;
	v17 =	vmul.f32 v53, v36;
	v8 =	vadd.f32 v18, v44;
	v18 =	vadd.f32 v43, v1;
	v1 =	vld [tilespmem:$0x1FE10]  }
0x69: {  	[tilespmem:$0x1FED0] =	vst v4;
	v4 =	vmul.f32 v54, v39  }
0x6a: {  	[tilespmem:$0x1FE30] =	vst v17  }
0x6b: {  	v0 =	vpop (erf);
	[tilespmem:$0x1FEA0] =	vst v19;
	v19 =	vmul.f32 v19, v36;
	v4 =	vadd.f32 v4, v10  }
0x6c: {  	[tilespmem:$0x1FF10] =	vst v0;
	v0 =	vpop (erf)  }
0x6d: {  	[tilespmem:$0x1FF00] =	vst v0;
	v0 =	vpop (erf);
	v4 =	vadd.f32 v19, v4;
	v19 =	vadd.f32 v3, v1;
	v1 =	vld [tilespmem:$0x1FE30]  }
0x6e: {  	[tilespmem:$0x1FEF0] =	vst v0;
	v0 =	vpop (erf)  }
0x6f: {  	[tilespmem:$0x1FEE0] =	vst v0;
	v0 =	vpop (erf)  }
0x70: {  	v57 =	vld.idx.msk [tilespmem:v56+s11+$0x0], $0xffff;
	[tilespmem:$0x1FEC0] =	vst v0;
	v0 =	vpop (erf)  }
0x71: {  	v56 =	vld.idx.msk [tilespmem:v56+s2+$0x0], $0xffff;
	[tilespmem:$0x1FEB0] =	vst v0;
	v0 =	vpop (erf)  }
0x72: {  	[tilespmem:$0x1FE80] =	vst v0;
	v0 =	vmov v35;
	v35 =	vmul.f32 v39, v39;
	v18 =	vadd.f32 v1, v18;
	v1 =	vld [tilespmem:$0x1FE40];
	_ =	sdelay $0x1  }
0x73: {  	v20 =	vmul.f32 v36, v36;
	v12 =	vadd.f32 v35, v12;
	_ =	sdelay $0x1  }
0x74: {  	v30 =	vsub.f32 v15, v56;
	v12 =	vadd.f32 v20, v12;
	_ =	sdelay $0x1  }
0x75: {  	v10 =	vadd.f32 $-1.000000000e+00, v12;
	v12 =	vmul.f32 v57, v30;
	v30 =	vld [tilespmem:$0x1FFA0];
	_ =	sdelay $0x1  }
0x76: {  	v20 =	vld.idx.msk [tilespmem:v1+s2+$0x0], $0xffff  }
0x77: {  	v1 =	vld [tilespmem:$0x1FE50]  }
0x78: {  	v4 =	vadd.f32 $-1.000000000e+00, v4  }
0x79: {  	v6 =	vadd.f32 $-1.000000000e+00, v6;
	v10 =	vmul.f32 v10, v30  }
0x7a: {  	v4 =	vmul.f32 v4, v30  }
0x7b: {  	v6 =	vmul.f32 v6, v30;
	v10 =	vmul.f32 $1.442695020e+00, v10  }
0x7c: {  	v4 =	vmul.f32 $1.442695020e+00, v4  }
0x7d: {  	v58 =	vpop (erf);
	v6 =	vmul.f32 $1.442695020e+00, v6;
	(erf) = vpow2.f32 v10  }
0x7e: {  	v23 =	vld.idx.msk [tilespmem:v61+s11+$0x0], $0xffff;
	(erf) = vpow2.f32 v4  }
0x7f: {  	(erf) = vpow2.f32 v6;
	v6 =	vld.idx.msk [tilespmem:v1+s2+$0x0], $0xffff  }
0x80: {  	v1 =	vld [tilespmem:$0x1FE60];
	_ =	sdelay $0x2  }
0x81: {  	v22 =	vmul.f32 v57, v36  }
0x82: {  	v17 =	vmul.f32 v23, v39  }
0x83: {  	v8 =	vadd.f32 v22, v8;
	v19 =	vadd.f32 v1, v19;
	v1 =	vld [tilespmem:$0x1FE70]  }
0x84: {  	v42 =	vmul.f32 v62, v36;
	v35 =	vmul.f32 v0, v5;
	v5 =	vadd.f32 v17, v52  }
0x85: {  	v45 =	vmul.f32 v60, v36;
	v8 =	vadd.f32 $-1.000000000e+00, v8  }
0x86: {  	v5 =	vadd.f32 v42, v5  }
0x87: {  	v8 =	vmul.f32 v8, v30;
	v10 =	vadd.f32 v45, v14  }
0x88: {  	v5 =	vadd.f32 $-1.000000000e+00, v5  }
0x89: {  	v8 =	vmul.f32 $1.442695020e+00, v8;
	v10 =	vadd.f32 $-1.000000000e+00, v10  }
0x8a: {  	v5 =	vmul.f32 v5, v30  }
0x8b: {  	(erf) = vpow2.f32 v8;
	v10 =	vmul.f32 v10, v30;
	v8 =	vld.idx.msk [tilespmem:v1+s2+$0x0], $0xffff;
	v1 =	vadd.f32 $-1.000000000e+00, v19  }
0x8c: {  	v5 =	vmul.f32 $1.442695020e+00, v5;
	v18 =	vadd.f32 $-1.000000000e+00, v18  }
0x8d: {  	v10 =	vmul.f32 $1.442695020e+00, v10;
	v1 =	vmul.f32 v1, v30  }
0x8e: {  	v18 =	vmul.f32 v18, v30;
	(erf) = vpow2.f32 v5  }
0x8f: {  	v19 =	vpop (erf);
	(erf) = vpow2.f32 v10;
	v10 =	vmul.f32 $1.442695020e+00, v1;
	v1 =	vld [tilespmem:$0x1FE80];
	_ =	sdelay $0x2  }
0x90: {  	v17 =	vld.idx.msk [tilespmem:v50+s2+$0x0], $0xffff  }
0x91: {  	v5 =	vmul.f32 $1.442695020e+00, v18;
	v18 =	vpop (erf)  }
0x92: {  	v18 =	vmul.f32 v18, v1;
	v1 =	vld [tilespmem:$0x1FE90];
	_ =	sdelay $0x2  }
0x93: {  	v17 =	vsub.f32 v34, v17;
	v14 =	vld.idx.msk [tilespmem:v48+s2+$0x0], $0xffff  }
0x94: {  	v24 =	vmul.f32 v62, v25;
	v25 =	vmul.f32 v63, v13;
	v13 =	vld.idx.msk [tilespmem:v51+s2+$0x0], $0xffff  }
0x95: {  	v17 =	vmul.f32 v1, v17;
	v1 =	vld [tilespmem:$0x1FEA0];
	_ =	sdelay $0x2  }
0x96: {  	v14 =	vsub.f32 v15, v14  }
0x97: {  	v13 =	vsub.f32 v15, v13;
	(erf) = vpow2.f32 v5  }
0x98: {  	v15 =	vsub.f32 v15, v20;
	v20 =	vpop (erf);
	(erf) = vpow2.f32 v10;
	v10 =	vmul.f32 v1, v14;
	v1 =	vld [tilespmem:$0x1FEB0];
	_ =	sdelay $0x4  }
0x99: {  	v6 =	vsub.f32 v34, v6;
	v14 =	vmul.f32 v20, v1;
	v1 =	vld [tilespmem:$0x1FEC0];
	_ =	sdelay $0x1  }
0x9a: {  	v6 =	vmul.f32 v39, v6  }
0x9b: {  	v4 =	vld.idx.msk [tilespmem:v49+s2+$0x0], $0xffff  }
0x9c: {  	v6 =	vadd.f32 v6, v16;
	v16 =	vpop (erf)  }
0x9d: {  	v16 =	vmul.f32 v16, v1;
	v1 =	vld [tilespmem:$0x1FED0]  }
0x9e: {  	v61 =	vld.idx.msk [tilespmem:v61+s2+$0x0], $0xffff;
	v8 =	vsub.f32 v34, v8;
	_ =	sdelay $0x1  }
0x9f: {  	v4 =	vsub.f32 v34, v4;
	v15 =	vmul.f32 v36, v15;
	v8 =	vmul.f32 v54, v8  }
0xa0: {  	v11 =	vmul.f32 v31, v11  }
0xa1: {  	v6 =	vadd.f32 v15, v6;
	v8 =	vadd.f32 v8, v32;
	v4 =	vmul.f32 v1, v4  }
0xa2: {  	v31 =	vsub.f32 v34, v61;
	v13 =	vmul.f32 v46, v13;
	v19 =	vmul.f32 v19, v58;
	v1 =	vld [tilespmem:$0x1FEE0]  }
0xa3: {  	v6 =	vand.u32 $0x7FFFFFFF, v6;
	v8 =	vadd.f32 v10, v8;
	v4 =	vadd.f32 v4, v37  }
0xa4: {  	v0 =	vmul.f32 v23, v31;
	v6 =	vmul.f32 v19, v6  }
0xa5: {  	v3 =	vadd.f32 v17, v26;
	v8 =	vand.u32 $0x7FFFFFFF, v8;
	v4 =	vadd.f32 v13, v4  }
0xa6: {  	v0 =	vadd.f32 v0, v11;
	v11 =	vpop (erf);
	v6 =	vadd.f32 $0.0e+00, v6;
	v8 =	vmul.f32 v18, v8  }
0xa7: {  	v3 =	vadd.f32 v12, v3;
	v11 =	vmul.f32 v11, v1;
	v1 =	vld [tilespmem:$0x1FEF0];
	v4 =	vand.u32 $0x7FFFFFFF, v4  }
0xa8: {  	v61 =	vld [tilespmem:$0x1FF60];
	v6 =	vadd.f32 v8, v6;
	v4 =	vmul.f32 v14, v4  }
0xa9: {  	v59 =	vld [tilespmem:$0x1FF40];
	v27 =	vmul.f32 v55, v27;
	v0 =	vadd.f32 v24, v0;
	v3 =	vand.u32 $0x7FFFFFFF, v3  }
0xaa: {  	v3 =	vmul.f32 v16, v3;
	v4 =	vadd.f32 v4, v6  }
0xab: {  	v0 =	vand.u32 $0x7FFFFFFF, v0;
	v5 =	vadd.f32 $0.0e+00, v19;
	v10 =	vpop (erf);
	v6 =	vadd.f32 v27, v47  }
0xac: {  	v0 =	vmul.f32 v11, v0;
	v10 =	vmul.f32 v10, v1;
	v1 =	vld [tilespmem:$0x1FF00];
	v3 =	vadd.f32 v3, v4  }
0xad: {  	v5 =	vadd.f32 v18, v5;
	v2 =	vadd.f32 v2, v6;
	v6 =	vadd.s32 s17, v61  }
0xae: {  	v0 =	vadd.f32 v0, v3;
	v3 =	vadd.s32 s17, v59  }
0xaf: {  	v63 =	vld [tilespmem:$0x1FF80];
	v5 =	vadd.f32 v14, v5  }
0xb0: {  	v15 =	vpop (erf)  }
0xb1: {  	v5 =	vadd.f32 v16, v5;
	v13 =	vmul.f32 v15, v1;
	v1 =	vld [tilespmem:$0x1FF10]  }
0xb2: {  	v34 =	vld.idx.msk [tilespmem:v6+s12+$0x0], $0xffff  }
0xb3: {  	s18 =	sadd.s32 $0x80, s18;
	v5 =	vadd.f32 v11, v5;
	v4 =	vadd.f32 v9, v40;
	v16 =	vld.idx.msk [tilespmem:v3+s12+$0x0], $0xffff  }
0xb4: {  	v7 =	vmul.f32 v29, v7;
	v6 =	vor.u32 s18, v63;
	v3 =	vld [tilespmem:$0x1FFF0]  }
0xb5: {  	v5 =	vadd.f32 v10, v5;
	v4 =	vadd.f32 v35, v4;
	v15 =	vpop (erf)  }
0xb6: {  	v62 =	vld [tilespmem:$0x1FF70];
	v12 =	vmul.f32 v15, v1;
	v1 =	vadd.f32 v25, v7  }
0xb7: {  	v4 =	vand.u32 $0x7FFFFFFF, v4;
	v5 =	vadd.f32 v13, v5  }
0xb8: {  	v1 =	vadd.f32 v21, v1;
	v8 =	vmul.f32 v12, v4;
	v4 =	vld [tilespmem:$0x1FFB0]  }
0xb9: {  	v14 =	vld.idx.msk [tilespmem:v6+s14+$0x0], $0xffff;
	v5 =	vadd.f32 v12, v5;
	v3 =	vor.u32 s18, v3  }
0xba: {  	v1 =	vand.u32 $0x7FFFFFFF, v1  }
0xbb: {  	v60 =	vld [tilespmem:$0x1FF50];
	(erf) = vrcp.f32 v5;
	v5 =	vadd.s32 s17, v62;
	v1 =	vmul.f32 v10, v1  }
0xbc: {  	v2 =	vand.u32 $0x7FFFFFFF, v2;
	v7 =	vld [tilespmem:$0x1FFD0]  }
0xbd: {  	v0 =	vadd.f32 v1, v0;
	v1 =	vmul.f32 v13, v2;
	v2 =	vld [tilespmem:$0x1FFC0];
	v4 =	vor.u32 s18, v4  }
0xbe: {  	v42 =	vmul.u32 $0x3, v14;
	v11 =	vld.idx.msk [tilespmem:v3+s13+$0x0], $0xffff  }
0xbf: {  	v3 =	vld.idx.msk [tilespmem:v3+s14+$0x0], $0xffff  }
0xc0: {  	v15 =	vld.idx.msk [tilespmem:v5+s12+$0x0], $0xffff  }
0xc1: {  	v7 =	vor.u32 s18, v7;
	v5 =	vld [tilespmem:$0x1FF20]  }
0xc2: {  	v0 =	vadd.f32 v1, v0;
	v10 =	vld.idx.msk [tilespmem:v4+s13+$0x0], $0xffff  }
0xc3: {  	v2 =	vor.u32 s18, v2;
	v4 =	vld.idx.msk [tilespmem:v4+s14+$0x0], $0xffff  }
0xc4: {  	v0 =	vadd.f32 v8, v0;
	v37 =	vld.idx.msk [tilespmem:v42+s11+$0x0], $0xffff  }
0xc5: {  	v1 =	vpop (erf);
	v46 =	vmul.u32 $0x3, v3;
	v3 =	vld.idx.msk [tilespmem:v6+s13+$0x0], $0xffff  }
0xc6: {  	v0 =	vmul.f32 v1, v0;
	v1 =	vld.idx.msk [tilespmem:v7+s13+$0x0], $0xffff  }
0xc7: {  	v7 =	vld.idx.msk [tilespmem:v7+s14+$0x0], $0xffff  }
0xc8: {  	v8 =	vld.idx.msk [tilespmem:v2+s13+$0x0], $0xffff  }
0xc9: {  	v9 =	vor.u32 s18, v60;
	v5 =	vadd.f32 v0, v5;
	v2 =	vld.idx.msk [tilespmem:v2+s14+$0x0], $0xffff;
	v44 =	vmul.u32 $0x3, v4  }
0xca: {  	v0 =	vld [tilespmem:$0x1FF90]  }
0xcb: {  	[tilespmem:$0x1FF20] =	vst v5;
	v5 =	vld [tilespmem:$0x1FFE0]  }
0xcc: {  	v7 =	vmul.u32 $0x3, v7;
	v4 =	vld.idx.msk [tilespmem:v46+s2+$0x0], $0xffff;
	v45 =	vadd.s32 $0x2, v44  }
0xcd: {  	v31 =	vld.idx.msk [tilespmem:v46+s11+$0x0], $0xffff  }
0xce: {  	v17 =	vmul.u32 $0x3, v2;
	v2 =	vld.idx.msk [tilespmem:v9+s14+$0x0], $0xffff  }
0xcf: {  	v0 =	vor.u32 s18, v0;
	v19 =	vld.idx.msk [tilespmem:v44+s2+$0x0], $0xffff  }
0xd0: {  	v29 =	vld.idx.msk [tilespmem:v44+s11+$0x0], $0xffff  }
0xd1: {  	v36 =	vadd.s32 $0x2, v7;
	v27 =	vld.idx.msk [tilespmem:v45+s2+$0x0], $0xffff  }
0xd2: {  	v20 =	vld.idx.msk [tilespmem:v7+s2+$0x0], $0xffff  }
0xd3: {  	v5 =	vor.u32 s18, v5;
	v30 =	vld.idx.msk [tilespmem:v7+s11+$0x0], $0xffff  }
0xd4: {  	v12 =	vld.idx.msk [tilespmem:v0+s14+$0x0], $0xffff  }
0xd5: {  	v0 =	vld.idx.msk [tilespmem:v0+s13+$0x0], $0xffff  }
0xd6: {  	v38 =	vld.idx.msk [tilespmem:v36+s2+$0x0], $0xffff  }
0xd7: {  	v48 =	vmul.u32 $0x3, v2;
	v2 =	vld.idx.msk [tilespmem:v42+s2+$0x0], $0xffff  }
0xd8: {  	v13 =	vld.idx.msk [tilespmem:v5+s14+$0x0], $0xffff  }
0xd9: {  	v18 =	vld.idx.msk [tilespmem:v5+s13+$0x0], $0xffff  }
0xda: {  	v39 =	vmul.u32 $0x3, v12;
	v12 =	vld.idx.msk [tilespmem:v9+s13+$0x0], $0xffff  }
0xdb: {  	v25 =	vld.idx.msk [tilespmem:v17+s2+$0x0], $0xffff  }
0xdc: {  	v26 =	vld.idx.msk [tilespmem:v17+s11+$0x0], $0xffff  }
0xdd: {  	v41 =	vmul.u32 $0x3, v13;
	v5 =	vld.idx.msk [tilespmem:v48+s2+$0x0], $0xffff;
	v13 =	vadd.s32 $0x2, v17  }
0xde: {  	v21 =	vld.idx.msk [tilespmem:v48+s11+$0x0], $0xffff  }
0xdf: {  	v54 =	vsub.f32 $0.0e+00, v12;
	v12 =	vld [tilespmem:$0x1FF30]  }
0xe0: {  	v9 =	vld.idx.msk [tilespmem:v39+s2+$0x0], $0xffff  }
0xe1: {  	p0 =	sne.s32 s17, $0x5D0;
	v11 =	vsub.f32 $0.0e+00, v11;
	v10 =	vsub.f32 $0.0e+00, v10;
	v43 =	vadd.s32 $0x1, v17;
	v32 =	vld.idx.msk [tilespmem:v39+s11+$0x0], $0xffff  }
.Ltmp0:
0xe2: {  	v1 =	vsub.f32 $0.0e+00, v1;
	v8 =	vsub.f32 $0.0e+00, v8;
	v14 =	vld.idx.msk [tilespmem:v13+s2+$0x0], $0xffff;
	(pc) =	sbr.rel @p0 .LBB2_2-.Ltmp0, $4  }
0xe3: {  	v53 =	vsub.f32 $0.0e+00, v3;
	v0 =	vsub.f32 $0.0e+00, v0;
	v35 =	vld.idx.msk [tilespmem:v13+s11+$0x0], $0xffff  }
0xe4: {  	v3 =	vsub.f32 $0.0e+00, v18;
	v6 =	vld.idx.msk [tilespmem:v41+s2+$0x0], $0xffff;
	v52 =	vmul.f32 v1, v12;
	v56 =	vmul.f32 v8, v12  }
0xe5: {  	v47 =	vadd.s32 $0x2, v46;
	v33 =	vld.idx.msk [tilespmem:v41+s11+$0x0], $0xffff;
	v50 =	vmul.f32 v11, v12;
	v55 =	vmul.f32 v10, v12  }
0xe6: {  	s17 =	sadd.s32 $0x30, s17;
	v40 =	vadd.s32 $0x1, v7;
	v1 =	vld.idx.msk [tilespmem:v43+s2+$0x0], $0xffff;
	v49 =	vmul.f32 v3, v12;
	v51 =	vmul.f32 v0, v12  }
0xe7: {  	v3 =	vmul.f32 $1.442695020e+00, v56;
	v8 =	vadd.s32 $0x2, v39;
	v10 =	vmul.f32 $1.442695020e+00, v52  }
0xe8: {  	v11 =	vmul.f32 $1.442695020e+00, v55;
	v12 =	vadd.s32 $0x1, v46;
	v58 =	vsub.f32 v16, v25  }
0xe9: {  	v46 =	vadd.s32 $0x1, v42;
	v17 =	vsub.f32 v16, v20;
	v18 =	vsub.f32 v16, v19  }
0xea: {  	v7 =	vld [tilespmem:$0x1FF30];
	v19 =	vmul.f32 v37, v21;
	v4 =	vsub.f32 v16, v4;
	v22 =	vmul.f32 v21, v21  }
0xeb: {  	v2 =	vsub.f32 v16, v2;
	v9 =	vsub.f32 v16, v9;
	v57 =	vmul.f32 $1.442695020e+00, v51  }
0xec: {  	v5 =	vsub.f32 v16, v5;
	v13 =	vmul.f32 $1.442695020e+00, v49;
	(erf) = vpow2.f32 v3  }
0xed: {  	v28 =	vld.idx.msk [tilespmem:v47+s2+$0x0], $0xffff;
	v49 =	vadd.s32 $0x1, v41;
	v3 =	vmul.f32 $1.442695020e+00, v50;
	(erf) = vpow2.f32 v10  }
0xee: {  	v25 =	vmul.f32 v26, v58;
	v10 =	vadd.s32 $0x2, v42;
	(erf) = vpow2.f32 v11;
	v50 =	vld.idx.msk [tilespmem:v46+s11+$0x0], $0xffff  }
0xef: {  	v52 =	vmovc v27;
	v0 =	vmul.f32 v53, v7;
	v53 =	vmovc v1;
	v1 =	vadd.s32 $0x1, v44;
	(erf) = vpow2.f32 v3;
	v27 =	vld.idx.msk [tilespmem:v12+s11+$0x0], $0xffff  }
0xf0: {  	v44 =	vadd.s32 $0x2, v48;
	v48 =	vadd.s32 $0x1, v48;
	v12 =	vld.idx.msk [tilespmem:v12+s2+$0x0], $0xffff;
	(erf) = vpow2.f32 v57  }
0xf1: {  	v6 =	vsub.f32 v16, v6;
	v16 =	vmul.f32 v30, v17;
	(erf) = vpow2.f32 v13;
	v13 =	vld.idx.msk [tilespmem:v8+s11+$0x0], $0xffff  }
0xf2: {  	v17 =	vmul.f32 v30, v21;
	v9 =	vmul.f32 v32, v9;
	v11 =	vadd.s32 $0x2, v41;
	v8 =	vld.idx.msk [tilespmem:v8+s2+$0x0], $0xffff  }
0xf3: {  	v51 =	vmovc v14;
	v14 =	vadd.s32 $0x1, v39;
	v4 =	vmul.f32 v31, v4;
	v7 =	vmul.f32 v54, v7;
	v42 =	vld.idx.msk [tilespmem:v49+s11+$0x0], $0xffff  }
0xf4: {  	v23 =	vmov v37;
	v20 =	vmul.f32 v33, v21;
	v0 =	vmul.f32 $1.442695020e+00, v0;
	v37 =	vld.idx.msk [tilespmem:v10+s11+$0x0], $0xffff  }
0xf5: {  	v54 =	vmul.f32 v32, v21;
	v7 =	vmul.f32 $1.442695020e+00, v7;
	v41 =	vld.idx.msk [tilespmem:v48+s11+$0x0], $0xffff  }
0xf6: {  	(erf) = vpow2.f32 v0;
	v0 =	vmul.f32 v26, v21;
	v39 =	vld.idx.msk [tilespmem:v44+s11+$0x0], $0xffff  }
0xf7: {  	v24 =	vld.idx.msk [tilespmem:v11+s11+$0x0], $0xffff;
	v26 =	vmul.f32 v29, v18;
	(erf) = vpow2.f32 v7;
	v8 =	vsub.f32 v15, v8  }
0xf8: {  	v7 =	vmul.f32 v29, v21;
	v29 =	vmul.f32 v23, v2;
	v2 =	vld.idx.msk [tilespmem:v14+s11+$0x0], $0xffff  }
0xf9: {  	v23 =	vmul.f32 v33, v6;
	v8 =	vmul.f32 v13, v8  }
0xfa: {  	v28 =	vsub.f32 v15, v28;
	v56 =	vmul.f32 v41, v41;
	v58 =	vmul.f32 v50, v41  }
0xfb: {  	v12 =	vsub.f32 v34, v12;
	v57 =	vmul.f32 v39, v39;
	v6 =	vmul.f32 v42, v41  }
0xfc: {  	v3 =	vld.idx.msk [tilespmem:v47+s11+$0x0], $0xffff;
	v33 =	vmul.f32 v37, v39;
	v47 =	vmul.f32 v24, v39;
	v19 =	vadd.f32 v58, v19  }
0xfd: {  	v32 =	vld [tilespmem:$0x1FFA0];
	v55 =	vmul.f32 v2, v41;
	v13 =	vmul.f32 v13, v39;
	v22 =	vadd.f32 v56, v22  }
0xfe: {  	v6 =	vadd.f32 v6, v20;
	v56 =	vmul.f32 v31, v21;
	v30 =	vadd.f32 v33, v19;
	v19 =	vld.idx.msk [tilespmem:v1+s2+$0x0], $0xffff  }
0xff: {  	v20 =	vadd.f32 v55, v54;
	v58 =	vmul.f32 v27, v41;
	v54 =	vld.idx.msk [tilespmem:v45+s11+$0x0], $0xffff;
	v45 =	vsub.f32 v15, v51  }
0x100: {  	v5 =	vmul.f32 v21, v5;
	v22 =	vadd.f32 v57, v22;
	v1 =	vld.idx.msk [tilespmem:v1+s11+$0x0], $0xffff;
	v6 =	vadd.f32 v47, v6  }
0x101: {  	v18 =	vmul.f32 v3, v28;
	v55 =	vld.idx.msk [tilespmem:v43+s11+$0x0], $0xffff;
	v31 =	vadd.f32 v58, v56;
	v13 =	vadd.f32 v13, v20  }
0x102: {  	v12 =	vmul.f32 v27, v12;
	v57 =	vld.idx.msk [tilespmem:v40+s2+$0x0], $0xffff;
	v56 =	vsub.f32 v15, v52;
	v58 =	vsub.f32 v34, v53  }
0x103: {  	v3 =	vmul.f32 v3, v39;
	v47 =	vld.idx.msk [tilespmem:v40+s11+$0x0], $0xffff;
	v40 =	vsub.f32 v15, v38;
	v19 =	vsub.f32 v34, v19  }
0x104: {  	v51 =	vmul.f32 v35, v39;
	v22 =	vadd.f32 $-1.000000000e+00, v22;
	v30 =	vadd.f32 $-1.000000000e+00, v30  }
0x105: {  	v6 =	vadd.f32 $-1.000000000e+00, v6;
	v19 =	vmul.f32 v1, v19;
	v1 =	vmul.f32 v1, v41  }
0x106: {  	v13 =	vadd.f32 $-1.000000000e+00, v13;
	v27 =	vmul.f32 v55, v58;
	v20 =	vmul.f32 v55, v41  }
0x107: {  	v22 =	vmul.f32 v22, v32;
	v43 =	vmul.f32 v30, v32;
	v1 =	vadd.f32 v1, v7;
	v7 =	vld.idx.msk [tilespmem:v36+s11+$0x0], $0xffff  }
0x108: {  	v3 =	vadd.f32 v3, v31;
	v6 =	vmul.f32 v6, v32;
	v13 =	vmul.f32 v13, v32  }
0x109: {  	v21 =	vsub.f32 v34, v57;
	v57 =	vmul.f32 v47, v41;
	v22 =	vmul.f32 $1.442695020e+00, v22  }
0x10a: {  	v3 =	vadd.f32 $-1.000000000e+00, v3;
	v28 =	vmul.f32 $1.442695020e+00, v43;
	v6 =	vmul.f32 $1.442695020e+00, v6  }
0x10b: {  	v0 =	vadd.f32 v20, v0;
	v13 =	vmul.f32 $1.442695020e+00, v13;
	v36 =	vmul.f32 v54, v39  }
0x10c: {  	v17 =	vadd.f32 v57, v17;
	v30 =	vmul.f32 v7, v40;
	v7 =	vmul.f32 v7, v39  }
0x10d: {  	v10 =	vld.idx.msk [tilespmem:v10+s2+$0x0], $0xffff;
	v31 =	vpop (erf);
	v3 =	vmul.f32 v3, v32;
	(erf) = vpow2.f32 v22;
	v1 =	vadd.f32 v36, v1  }
0x10e: {  	v11 =	vld.idx.msk [tilespmem:v11+s2+$0x0], $0xffff;
	v21 =	vmul.f32 v47, v21;
	v20 =	vpop (erf);
	v0 =	vadd.f32 v51, v0;
	v7 =	vadd.f32 v7, v17  }
0x10f: {  	v22 =	vmul.f32 v54, v56;
	(erf) = vpow2.f32 v28;
	v28 =	vpop (erf);
	v1 =	vadd.f32 $-1.000000000e+00, v1  }
0x110: {  	v14 =	vld.idx.msk [tilespmem:v14+s2+$0x0], $0xffff;
	v3 =	vmul.f32 $1.442695020e+00, v3;
	v0 =	vadd.f32 $-1.000000000e+00, v0;
	v17 =	vpop (erf);
	v7 =	vadd.f32 $-1.000000000e+00, v7  }
0x111: {  	v54 =	vld.idx.msk [tilespmem:v48+s2+$0x0], $0xffff;
	v1 =	vmul.f32 v1, v32;
	(erf) = vpow2.f32 v6;
	v6 =	vpop (erf)  }
0x112: {  	v10 =	vsub.f32 v15, v10;
	v58 =	vld.idx.msk [tilespmem:v46+s2+$0x0], $0xffff;
	v0 =	vmul.f32 v0, v32;
	v52 =	vpop (erf);
	v7 =	vmul.f32 v7, v32  }
0x113: {  	v11 =	vsub.f32 v15, v11;
	v57 =	vld.idx.msk [tilespmem:v49+s2+$0x0], $0xffff;
	(erf) = vpow2.f32 v13;
	v1 =	vmul.f32 $1.442695020e+00, v1;
	v53 =	vpop (erf)  }
0x114: {  	v47 =	vmov v34;
	v56 =	vld.idx.msk [tilespmem:v44+s2+$0x0], $0xffff;
	v55 =	vpop (erf);
	(erf) = vpow2.f32 v3;
	v7 =	vmul.f32 $1.442695020e+00, v7  }
0x115: {  	v11 =	vmul.f32 v24, v11;
	(erf) = vpow2.f32 v1;
	v1 =	vsub.f32 v47, v14  }
0x116: {  	v33 =	vmul.f32 v35, v45;
	v0 =	vmul.f32 $1.442695020e+00, v0;
	v38 =	vsub.f32 v47, v54;
	v3 =	vpop (erf)  }
0x117: {  	v24 =	vsub.f32 v47, v58;
	v3 =	vmul.f32 v3, v55;
	v1 =	vmul.f32 v2, v1  }
0x118: {  	v46 =	vsub.f32 v47, v57;
	v2 =	vmul.f32 v41, v38;
	(erf) = vpow2.f32 v7;
	v7 =	vpop (erf)  }
0x119: {  	v44 =	vsub.f32 v15, v56;
	v45 =	vadd.f32 $0.0e+00, v3;
	v7 =	vmul.f32 v7, v53  }
0x11a: {  	v51 =	vmul.f32 v42, v46;
	v2 =	vadd.f32 v2, v5;
	(erf) = vpow2.f32 v0;
	v0 =	vpop (erf)  }
0x11b: {  	v5 =	vmul.f32 v39, v44;
	v0 =	vmul.f32 v0, v52;
	v47 =	vadd.f32 v7, v45  }
0x11c: {  	v4 =	vadd.f32 v12, v4;
	v48 =	vmul.f32 v50, v24;
	v54 =	vadd.f32 v51, v23;
	v49 =	vpop (erf)  }
0x11d: {  	v2 =	vadd.f32 v5, v2;
	v6 =	vmul.f32 v49, v6;
	v50 =	vadd.f32 v0, v47  }
0x11e: {  	v10 =	vmul.f32 v37, v10;
	v1 =	vadd.f32 v1, v9;
	v5 =	vadd.f32 v48, v29;
	v52 =	vpop (erf)  }
0x11f: {  	v2 =	vand.u32 $0x7FFFFFFF, v2;
	v53 =	vmul.f32 v52, v17;
	v12 =	vadd.f32 v6, v50  }
0x120: {  	v5 =	vadd.f32 v10, v5;
	v10 =	vadd.f32 v11, v54;
	v55 =	vpop (erf);
	v2 =	vmul.f32 v3, v2  }
0x121: {  	v1 =	vadd.f32 v8, v1;
	v56 =	vmul.f32 v55, v28;
	v3 =	vadd.f32 v53, v12  }
0x122: {  	v5 =	vand.u32 $0x7FFFFFFF, v5;
	v8 =	vand.u32 $0x7FFFFFFF, v10;
	v2 =	vadd.f32 $0.0e+00, v2;
	v57 =	vpop (erf)  }
0x123: {  	v5 =	vmul.f32 v7, v5;
	v58 =	vmul.f32 v57, v20;
	v3 =	vadd.f32 v56, v3  }
0x124: {  	v0 =	vmul.f32 v0, v8;
	v7 =	vpop (erf)  }
0x125: {  	v2 =	vadd.f32 v5, v2;
	v7 =	vmul.f32 v7, v31;
	v3 =	vadd.f32 v58, v3  }
0x126: {  	v4 =	vadd.f32 v18, v4;
	v1 =	vand.u32 $0x7FFFFFFF, v1;
	v5 =	vadd.f32 v19, v26  }
0x127: {  	v1 =	vmul.f32 v6, v1;
	v0 =	vadd.f32 v0, v2;
	v2 =	vadd.f32 v7, v3  }
0x128: {  	v4 =	vand.u32 $0x7FFFFFFF, v4;
	v3 =	vadd.f32 v22, v5;
	v5 =	vadd.f32 v21, v16  }
0x129: {  	v0 =	vadd.f32 v1, v0;
	v1 =	vmul.f32 v53, v4;
	v4 =	vadd.f32 v27, v25  }
0x12a: {  	(erf) = vrcp.f32 v2;
	v2 =	vadd.f32 v30, v5;
	v3 =	vand.u32 $0x7FFFFFFF, v3  }
0x12b: {  	v0 =	vadd.f32 v1, v0;
	v1 =	vmul.f32 v56, v3  }
0x12c: {  	v3 =	vadd.f32 v33, v4;
	v2 =	vand.u32 $0x7FFFFFFF, v2  }
0x12d: {  	v0 =	vadd.f32 v1, v0;
	v1 =	vmul.f32 v58, v2  }
0x12e: {  	v2 =	vand.u32 $0x7FFFFFFF, v3  }
0x12f: {  	v0 =	vadd.f32 v1, v0;
	v1 =	vmul.f32 v7, v2;
	_ =	sdelay $0x2  }
0x130: {  	v0 =	vadd.f32 v1, v0  }
0x131: {  	v1 =	vpop (erf)  }
0x132: {  	v0 =	vmul.f32 v1, v0;
	v1 =	vld [tilespmem:$0x1FF20];
	_ =	sdelay $0x4  }
0x133: {  	v0 =	vadd.f32 v0, v1;
	_ =	sdelay $0x1  }
0x134: {  	[tilespmem:$0x5600] =	vst v0  }
0x135: {  	[hbm4b:s8+s2] =	stream.linear.scatter [tilespmem:s15], [sflag:$0x1], $0x10, $0x38;
	[tilespmem:$0x5680] =	vst v63  }
0x136: {  	s16 =	sadd.s32 $0x1, s16;
	_ =	swait.ge [sflag:s10], $0x10  }
0x137: {  	p0 =	sne.s32 s16, s9;
	v2 =	vld [tilespmem:$0x1FFE0]  }
.Ltmp1:
0x138: {  	v0 =	vld [tilespmem:$0x1FF90];
	(pc) =	sbr.rel @p0 .LBB2_1-.Ltmp1, $4  }
0x139: {  	v3 =	vld [tilespmem:$0x1FFF0]  }
0x13a: {  	v4 =	vld [tilespmem:$0x1FFB0]  }
0x13b: {  	[sflag:s10] =	ssyncset.done $0x0;
	v5 =	vld [tilespmem:$0x1FFD0]  }
0x13c: {  	v6 =	vld [tilespmem:$0x1FFC0];
	[sflag:s10] =	ssyncadd.s32 $0xFFFFFFF0  }
0x13d: {  	_ =	sfence.sel $0x180000  }
0x13e: {  	[bflag:$0x0] =	sbarrier.arrive $0xFFFF  }
0x13f: {  	p0 =	sne.s32 s0, $0x0;
	_ =	strace $0x90000047  }
0x140: {  	s0 =	sadd.s32 @!p0 $0x100000, s1;
	[bflag:$0x2] =	sbarrier.arrive $0xFFFF  }
0x141: {  	[sflag:s0] =	ssyncadd.tile.s32 @!p0 $0x1;
	_ =	shalt  }
.Lfunc_end2:
_tile_overlayer_lowered:
.L_overlay_start_2:
0x142: {  	(tag) =	ssettag $0x2  }
0x143: {  	s0 =	rddreg [dreg:$0x0];
	s2 =	stileid.u32  }
0x144: {  	s1 =	rddreg [dreg:$0x1];
	p0 =	sne.s32 s2, $0x0  }
0x145: {  	s3 =	rddreg [dreg:$0x2];
	[bflag:$0x3] =	sbarrier.arrive $0xFFFF;
	s2 =	simm.s32 @!p0 $0x1C01  }
0x146: {  	[timem:s3], [sflag:s2] =	dma.local @!p0 [hbm:s0], s1  }
0x147: {  	s0 =	simm.s32 @!p0 $0x1  }
0x148: {  	_ =	swait.ge @!p0 [sflag:s0], s1  }
0x149: {  	s1 =	ssub.s32 @!p0 $0x0, s1;
	[sflag:s0] =	ssyncset.done @!p0 $0x0  }
0x14a: {  	[sflag:s0] =	ssyncadd.s32 @!p0 s1  }
0x14b: {  	[bflag:$0x3] =	sbarrier.arrive $0xFFFF  }
0x14c: {  	_ =	shalt  }

</sc_bundles>
